<compile_context>
chip_gen: v7x
topology: tpu7x:2x2x1
jax: 0.10.2.dev20260603
libtpu: 0.0.44.dev20260713+nightly
codegen_flags: <defaults>
</compile_context>

<pallas_src>
import functools

import jax
import jax.numpy as jnp
from jax.experimental import pallas as pl
from jax.experimental.pallas import tpu as pltpu
from jax.experimental.pallas import tpu_sc as plsc

B, N, K = 8, 2048, 32
R1 = 512
R4 = 1024
TOT = B * N * K
EPS = 1e-5



def _k1_body(xyz_ref, xyzT_ref, pts_ref, w0xT_ref, w0fT_ref,
             idx_ref, g_ref, u_ref):
    b = pl.program_id(0)
    xb = xyz_ref[0]
    xT = xyzT_ref[0]
    inner = jnp.dot(xb, xT)
    quad_row = jnp.sum(xb * xb, axis=1, keepdims=True)
    quad_col = jnp.sum(xT * xT, axis=0, keepdims=True)
    d = (-2.0 * inner + quad_col) + quad_row
    INF = jnp.float32(jnp.inf)
    iota = jax.lax.broadcasted_iota(jnp.int32, (R1, N), 1)
    cols = []
    for t in range(K + 1):
        arg = jnp.argmin(d, axis=1).astype(jnp.int32)[:, None]
        d = jnp.where(iota == arg, INF, d)
        if t > 0:
            cols.append(arg)
    idx_ref[0] = jnp.concatenate(cols, axis=1) + b * N
    u = jnp.dot(xb, w0xT_ref[...])
    u_ref[0] = u
    g_ref[0] = u + jnp.dot(pts_ref[0], w0fT_ref[...])


def _knn_g_u(xyz, points, W0):
    xyz_p = jnp.pad(xyz, ((0, 0), (0, 0), (0, 5)))
    xyzT = jnp.transpose(xyz_p, (0, 2, 1))
    w0xT = jnp.pad(W0[:, :3].T, ((0, 5), (0, 0)))
    w0fT = W0[:, 3:].T
    return pl.pallas_call(
        _k1_body,
        grid=(B, N // R1),
        in_specs=[
            pl.BlockSpec((1, R1, 8), lambda b, r: (b, r, 0)),
            pl.BlockSpec((1, 8, N), lambda b, r: (b, 0, 0)),
            pl.BlockSpec((1, R1, 64), lambda b, r: (b, r, 0)),
            pl.BlockSpec((8, 128), lambda b, r: (0, 0)),
            pl.BlockSpec((64, 128), lambda b, r: (0, 0)),
        ],
        out_specs=[
            pl.BlockSpec((1, R1, K), lambda b, r: (b, r, 0)),
            pl.BlockSpec((1, R1, 128), lambda b, r: (b, r, 0)),
            pl.BlockSpec((1, R1, 128), lambda b, r: (b, r, 0)),
        ],
        out_shape=[
            jax.ShapeDtypeStruct((B, N, K), jnp.int32),
            jax.ShapeDtypeStruct((B, N, 128), jnp.float32),
            jax.ShapeDtypeStruct((B, N, 128), jnp.float32),
        ],
    )(xyz_p, xyzT, points, w0xT, w0fT)



_NW = 32
_CH = 256


def _sc_gather(g_flat, idx_flat):
    per_w = TOT // _NW
    mesh = plsc.VectorSubcoreMesh(core_axis_name="c", subcore_axis_name="s")

    @functools.partial(
        pl.kernel, mesh=mesh,
        out_type=jax.ShapeDtypeStruct((TOT, 128), jnp.float32),
        scratch_types=[
            pltpu.VMEM((_CH,), jnp.int32),
            pltpu.VMEM((_CH,), jnp.int32),
            pltpu.VMEM((_CH, 128), jnp.float32),
            pltpu.VMEM((_CH, 128), jnp.float32),
            pltpu.SemaphoreType.DMA,
            pltpu.SemaphoreType.DMA,
        ],
    )
    def k(g_hbm, idx_hbm, out_hbm, idx_v0, idx_v1, rows_v0, rows_v1,
          sem0, sem1):
        wid = jax.lax.axis_index("s") * 2 + jax.lax.axis_index("c")
        base = wid * per_w

        def body(j, carry):
            off0 = base + (2 * j) * _CH
            off1 = off0 + _CH
            pltpu.sync_copy(idx_hbm.at[pl.ds(off0, _CH)], idx_v0)
            h0 = pltpu.async_copy(g_hbm.at[idx_v0], rows_v0, sem0)
            pltpu.sync_copy(idx_hbm.at[pl.ds(off1, _CH)], idx_v1)
            h1 = pltpu.async_copy(g_hbm.at[idx_v1], rows_v1, sem1)
            h0.wait()
            pltpu.sync_copy(rows_v0, out_hbm.at[pl.ds(off0, _CH)])
            h1.wait()
            pltpu.sync_copy(rows_v1, out_hbm.at[pl.ds(off1, _CH)])
            return carry

        jax.lax.fori_loop(0, per_w // (2 * _CH), body, 0)

    return k(g_flat, idx_flat)



def _k3_body(G_ref, u_ref, s_ref, q_ref):
    step = pl.program_id(0)
    u = u_ref[...]
    u_rep = jnp.broadcast_to(u[:, None, :], (R4 // K, K, 128)).reshape(R4, 128)
    z = G_ref[...] - u_rep
    ps = jnp.sum(z, axis=0, keepdims=True)
    pq = jnp.sum(z * z, axis=0, keepdims=True)

    @pl.when(step == 0)
    def _():
        s_ref[...] = ps
        q_ref[...] = pq

    @pl.when(step != 0)
    def _():
        s_ref[...] += ps
        q_ref[...] += pq


def _z0_stats(G, u_flat):
    return pl.pallas_call(
        _k3_body,
        grid=(TOT // R4,),
        in_specs=[
            pl.BlockSpec((R4, 128), lambda i: (i, 0)),
            pl.BlockSpec((R4 // K, 128), lambda i: (i, 0)),
        ],
        out_specs=[
            pl.BlockSpec((1, 128), lambda i: (0, 0)),
            pl.BlockSpec((1, 128), lambda i: (0, 0)),
        ],
        out_shape=[
            jax.ShapeDtypeStruct((1, 128), jnp.float32),
            jax.ShapeDtypeStruct((1, 128), jnp.float32),
        ],
    )(G, u_flat)



def _k4_body(G_ref, u_ref, a_ref, c_ref, w_ref, z_ref, s_ref, q_ref):
    step = pl.program_id(0)
    u = u_ref[...]
    u_rep = jnp.broadcast_to(u[:, None, :], (R4 // K, K, 128)).reshape(R4, 128)
    z0 = G_ref[...] - u_rep
    h0 = jnp.maximum(z0 * a_ref[...] + c_ref[...], 0.0)
    z1 = jnp.dot(h0.astype(jnp.bfloat16), w_ref[...],
                 preferred_element_type=jnp.float32)
    z_ref[...] = z1.astype(jnp.bfloat16)
    ps = jnp.sum(z1, axis=0, keepdims=True)
    pq = jnp.sum(z1 * z1, axis=0, keepdims=True)

    @pl.when(step == 0)
    def _():
        s_ref[...] = ps
        q_ref[...] = pq

    @pl.when(step != 0)
    def _():
        s_ref[...] += ps
        q_ref[...] += pq


def _layer1(G, u_flat, a0, c0, W1T):
    return pl.pallas_call(
        _k4_body,
        grid=(TOT // R4,),
        in_specs=[
            pl.BlockSpec((R4, 128), lambda i: (i, 0)),
            pl.BlockSpec((R4 // K, 128), lambda i: (i, 0)),
            pl.BlockSpec((1, 128), lambda i: (0, 0)),
            pl.BlockSpec((1, 128), lambda i: (0, 0)),
            pl.BlockSpec((128, 128), lambda i: (0, 0)),
        ],
        out_specs=[
            pl.BlockSpec((R4, 128), lambda i: (i, 0)),
            pl.BlockSpec((1, 128), lambda i: (0, 0)),
            pl.BlockSpec((1, 128), lambda i: (0, 0)),
        ],
        out_shape=[
            jax.ShapeDtypeStruct((TOT, 128), jnp.bfloat16),
            jax.ShapeDtypeStruct((1, 128), jnp.float32),
            jax.ShapeDtypeStruct((1, 128), jnp.float32),
        ],
    )(G, u_flat, a0, c0, W1T)



def _k5_body(z1_ref, a_ref, c_ref, w_ref, m_ref, s_ref, q_ref):
    step = pl.program_id(0)
    z1 = z1_ref[...].astype(jnp.float32)
    h1 = jnp.maximum(z1 * a_ref[...] + c_ref[...], 0.0)
    z2 = jnp.dot(h1.astype(jnp.bfloat16), w_ref[...],
                 preferred_element_type=jnp.float32)
    ps = jnp.sum(z2, axis=0, keepdims=True)
    pq = jnp.sum(z2 * z2, axis=0, keepdims=True)
    m_ref[...] = jnp.max(z2.reshape(R4 // K, K, 256), axis=1)

    @pl.when(step == 0)
    def _():
        s_ref[...] = ps
        q_ref[...] = pq

    @pl.when(step != 0)
    def _():
        s_ref[...] += ps
        q_ref[...] += pq


def _layer2(z1, a1, c1, W2T):
    return pl.pallas_call(
        _k5_body,
        grid=(TOT // R4,),
        in_specs=[
            pl.BlockSpec((R4, 128), lambda i: (i, 0)),
            pl.BlockSpec((1, 128), lambda i: (0, 0)),
            pl.BlockSpec((1, 128), lambda i: (0, 0)),
            pl.BlockSpec((128, 256), lambda i: (0, 0)),
        ],
        out_specs=[
            pl.BlockSpec((R4 // K, 256), lambda i: (i, 0)),
            pl.BlockSpec((1, 256), lambda i: (0, 0)),
            pl.BlockSpec((1, 256), lambda i: (0, 0)),
        ],
        out_shape=[
            jax.ShapeDtypeStruct((B * N, 256), jnp.float32),
            jax.ShapeDtypeStruct((1, 256), jnp.float32),
            jax.ShapeDtypeStruct((1, 256), jnp.float32),
        ],
    )(z1, a1, c1, W2T)



def _k6_body(m_ref, a_ref, c_ref, o_ref):
    o_ref[...] = jnp.maximum(m_ref[...] * a_ref[...] + c_ref[...], 0.0)


def _finalize(M, a2, c2):
    RB = 2048
    return pl.pallas_call(
        _k6_body,
        grid=(B * N // RB,),
        in_specs=[
            pl.BlockSpec((RB, 256), lambda i: (i, 0)),
            pl.BlockSpec((1, 256), lambda i: (0, 0)),
            pl.BlockSpec((1, 256), lambda i: (0, 0)),
        ],
        out_specs=pl.BlockSpec((RB, 256), lambda i: (i, 0)),
        out_shape=jax.ShapeDtypeStruct((B * N, 256), jnp.float32),
    )(M, a2, c2)



def _norm_coeffs(s, q):
    cnt = float(TOT)
    m = s / cnt
    v = q / cnt - m * m
    inv = jax.lax.rsqrt(v + EPS)
    return inv, -m * inv


def kernel(xyz, points, W0, b0, W1, b1, W2, b2):
    idx, g, u = _knn_g_u(xyz, points, W0)
    g_flat = g.reshape(B * N, 128)
    u_flat = u.reshape(B * N, 128)
    G = _sc_gather(g_flat, idx.reshape(-1))
    s0, q0 = _z0_stats(G, u_flat)
    a0, c0 = _norm_coeffs(s0, q0)
    z1, s1, q1 = _layer1(G, u_flat, a0, c0, W1.T.astype(jnp.bfloat16))
    a1, c1 = _norm_coeffs(s1, q1)
    M, s2, q2 = _layer2(z1, a1, c1, W2.T.astype(jnp.bfloat16))
    a2, c2 = _norm_coeffs(s2, q2)
    out = _finalize(M, a2, c2)
    return out.reshape(B, N, 256)

# --- scband reference (transcript-rebuilt; emitter-appended) ---
"""Pipeline reference for scband-set-abstraction-41532333752466 (READ-ONLY COPY).

The authoritative reference and input builder live on the scoring server;
editing this copy changes nothing except your own understanding.
"""

import jax, jax.numpy as jnp
import numpy as np

N_NEAR = 32

def _knn_idx(v, k):
    inner = jnp.einsum('bnd,bmd->bnm', v, v)
    quad = jnp.sum(v ** 2, axis=2)
    dist = -2.0 * inner + quad[:, None, :] + quad[:, :, None]
    idx = jax.lax.top_k(-dist, k + 1)[1]
    return idx[:, :, 1:]

def _gather(pts, idx):
    return jax.vmap(lambda p, i: p[i])(pts, idx)

def _bn_relu(x):
    m = jnp.mean(x, axis=(0, 2, 3), keepdims=True)
    v = jnp.var(x, axis=(0, 2, 3), keepdims=True)
    return jax.nn.relu((x - m) / jnp.sqrt(v + 1e-5))

def setup_inputs(seed: int = 0):
    key = jax.random.key(seed)
    ks = jax.random.split(key, 8)
    xyz = jax.random.normal(ks[0], (8, 2048, 3), dtype=jnp.float32)
    points = jax.random.normal(ks[1], (8, 2048, 64), dtype=jnp.float32)
    W0 = jax.random.normal(ks[2], (128, 67), dtype=jnp.float32) * 0.05
    b0 = jnp.zeros((128,), jnp.float32)
    W1 = jax.random.normal(ks[3], (128, 128), dtype=jnp.float32) * 0.05
    b1 = jnp.zeros((128,), jnp.float32)
    W2 = jax.random.normal(ks[4], (256, 128), dtype=jnp.float32) * 0.05
    b2 = jnp.zeros((256,), jnp.float32)
    return {"xyz": xyz, "points": points, "W0": W0, "b0": b0, "W1": W1, "b1": b1, "W2": W2, "b2": b2}

def reference(xyz, points, W0, b0, W1, b1, W2, b2):
    idx = _knn_idx(xyz, N_NEAR)
    grouped_xyz = _gather(xyz, idx)
    grouped_xyz_norm = grouped_xyz - xyz[:, :, None, :]
    grouped_fea = _gather(points, idx)
    new_fea = jnp.concatenate([grouped_xyz_norm, grouped_fea], axis=-1)
    x = jnp.transpose(new_fea, (0, 3, 2, 1))
    for W, b in ((W0, b0), (W1, b1), (W2, b2)):
        x = jnp.einsum('oc,bckn->bokn', W, x) + b[None, :, None, None]
        x = _bn_relu(x)
    x = jnp.max(x, axis=2)
    return jnp.transpose(x, (0, 2, 1))

if __name__ == "__main__":
    import jax
    _d = setup_inputs()
    print(jax.jit(kernel)(*tuple(_d.values())))

</pallas_src>

<mosaic_0001>
#map = affine_map<(d0, d1) -> (0, 0)>
#map1 = affine_map<(d0, d1) -> (0)>
module attributes {stable_mosaic.version = 14 : i64} {
  func.func @k(%arg0: i32, %arg1: i32, %arg2: memref<16384x128xf32, #tpu.memory_space<hbm>>, %arg3: memref<524288xi32, #tpu.memory_space<hbm>>, %arg4: memref<524288x128xf32, #tpu.memory_space<hbm>>, %arg5: memref<256xi32, #tpu.memory_space<vmem>>, %arg6: memref<256xi32, #tpu.memory_space<vmem>>, %arg7: memref<256x128xf32, #tpu.memory_space<vmem>>, %arg8: memref<256x128xf32, #tpu.memory_space<vmem>>, %arg9: memref<!tpu.dma_semaphore, #tpu.memory_space<semaphore_mem>>, %arg10: memref<!tpu.dma_semaphore, #tpu.memory_space<semaphore_mem>>) attributes {dimension_semantics = [#tpu.dimension_semantics<core_parallel>, #tpu.dimension_semantics<subcore_parallel>], iteration_bounds = array<i64: 2, 16>, scalar_prefetch = 0 : i64, scratch_operands = 6 : i64, tpu.core_type = #tpu.core_type<sc_vector_subcore>, window_params = [{transform_indices = #map}, {transform_indices = #map1}, {transform_indices = #map}]} {
    %mul3A = arith.constant 2 : i32
    %mul3A_0 = arith.muli %arg1, %mul3A : i32
    %add3A = arith.addi %mul3A_0, %arg0 : i32
    %mul3A_1 = arith.constant 16384 : i32
    %mul3A_2 = arith.muli %add3A, %mul3A_1 : i32
    %scan3A = arith.constant 0 : i32
    %scan3A_3 = arith.constant 0 : i32
    %scan3A_4 = arith.constant 32 : i32
    %scan3A_5 = arith.addi %scan3A_3, %scan3A_4 : i32
    %scan3A_6 = arith.constant 1 : i32
    scf.for %scan3A_8 = %scan3A_3 to %scan3A_5 step %scan3A_6  : i32 {
      %mul3A_9 = arith.constant 2 : i32
      %mul3A_10 = arith.muli %mul3A_9, %scan3A_8 : i32
      %mul3A_11 = arith.constant 256 : i32
      %mul3A_12 = arith.muli %mul3A_10, %mul3A_11 : i32
      %add3A_13 = arith.addi %mul3A_2, %mul3A_12 : i32
      %add3A_14 = arith.constant 256 : i32
      %add3A_15 = arith.addi %add3A_13, %add3A_14 : i32
      "tpu.region"() ({
        %run_scoped3A = tpu.sem_alloc : memref<!tpu.dma_semaphore, #tpu.memory_space<semaphore_mem>>
        %dma_start3A_26 = tpu.memref_slice %arg3[%add3A_13] : memref<524288xi32, #tpu.memory_space<hbm>> -> memref<256xi32, #tpu.memory_space<hbm>>
        %dma_start3A_27 = tpu.memref_slice %arg3[%add3A_13] : memref<524288xi32, #tpu.memory_space<hbm>> -> memref<256xi32, #tpu.memory_space<hbm>>
        tpu.enqueue_dma source(%dma_start3A_27 : memref<256xi32, #tpu.memory_space<hbm>>) target(%arg5 : memref<256xi32, #tpu.memory_space<vmem>>) target_semaphore(%run_scoped3A : memref<!tpu.dma_semaphore, #tpu.memory_space<semaphore_mem>>)
        %dma_wait3A_28 = tpu.memref_slice %arg3[%add3A_13] : memref<524288xi32, #tpu.memory_space<hbm>> -> memref<256xi32, #tpu.memory_space<hbm>>
        %dma_wait3A_29 = tpu.memref_slice %arg3[%add3A_13] : memref<524288xi32, #tpu.memory_space<hbm>> -> memref<256xi32, #tpu.memory_space<hbm>>
        tpu.wait_dma2 semaphore(%run_scoped3A : memref<!tpu.dma_semaphore, #tpu.memory_space<semaphore_mem>>) src(%dma_wait3A_29 : memref<256xi32, #tpu.memory_space<hbm>>) dst(%arg5 : memref<256xi32, #tpu.memory_space<vmem>>)
        tpu.yield
      }) : () -> ()
      %dma_start3A = arith.constant 0 : i32
      %dma_start3A_16 = arith.constant 0 : i32
      %dma_start3A_17 = tpu.memref_slice %arg2[%dma_start3A, %dma_start3A_16] : memref<16384x128xf32, #tpu.memory_space<hbm>> -> memref<16384x128xf32, #tpu.memory_space<hbm>>
      tpu.enqueue_indirect_dma source(%dma_start3A_17 : memref<16384x128xf32, #tpu.memory_space<hbm>>) target(%arg7 : memref<256x128xf32, #tpu.memory_space<vmem>>) offsets(%arg5 : memref<256xi32, #tpu.memory_space<vmem>>) semaphore(%arg9 : memref<!tpu.dma_semaphore, #tpu.memory_space<semaphore_mem>>)
      "tpu.region"() ({
        %run_scoped3A = tpu.sem_alloc : memref<!tpu.dma_semaphore, #tpu.memory_space<semaphore_mem>>
        %dma_start3A_26 = tpu.memref_slice %arg3[%add3A_15] : memref<524288xi32, #tpu.memory_space<hbm>> -> memref<256xi32, #tpu.memory_space<hbm>>
        %dma_start3A_27 = tpu.memref_slice %arg3[%add3A_15] : memref<524288xi32, #tpu.memory_space<hbm>> -> memref<256xi32, #tpu.memory_space<hbm>>
        tpu.enqueue_dma source(%dma_start3A_27 : memref<256xi32, #tpu.memory_space<hbm>>) target(%arg6 : memref<256xi32, #tpu.memory_space<vmem>>) target_semaphore(%run_scoped3A : memref<!tpu.dma_semaphore, #tpu.memory_space<semaphore_mem>>)
        %dma_wait3A_28 = tpu.memref_slice %arg3[%add3A_15] : memref<524288xi32, #tpu.memory_space<hbm>> -> memref<256xi32, #tpu.memory_space<hbm>>
        %dma_wait3A_29 = tpu.memref_slice %arg3[%add3A_15] : memref<524288xi32, #tpu.memory_space<hbm>> -> memref<256xi32, #tpu.memory_space<hbm>>
        tpu.wait_dma2 semaphore(%run_scoped3A : memref<!tpu.dma_semaphore, #tpu.memory_space<semaphore_mem>>) src(%dma_wait3A_29 : memref<256xi32, #tpu.memory_space<hbm>>) dst(%arg6 : memref<256xi32, #tpu.memory_space<vmem>>)
        tpu.yield
      }) : () -> ()
      %dma_start3A_18 = arith.constant 0 : i32
      %dma_start3A_19 = arith.constant 0 : i32
      %dma_start3A_20 = tpu.memref_slice %arg2[%dma_start3A_18, %dma_start3A_19] : memref<16384x128xf32, #tpu.memory_space<hbm>> -> memref<16384x128xf32, #tpu.memory_space<hbm>>
      tpu.enqueue_indirect_dma source(%dma_start3A_20 : memref<16384x128xf32, #tpu.memory_space<hbm>>) target(%arg8 : memref<256x128xf32, #tpu.memory_space<vmem>>) offsets(%arg6 : memref<256xi32, #tpu.memory_space<vmem>>) semaphore(%arg10 : memref<!tpu.dma_semaphore, #tpu.memory_space<semaphore_mem>>)
      %dma_wait3A = arith.constant 0 : i32
      %dma_wait3A_21 = arith.constant 0 : i32
      %dma_wait3A_22 = tpu.memref_slice %arg2[%dma_wait3A, %dma_wait3A_21] : memref<16384x128xf32, #tpu.memory_space<hbm>> -> memref<16384x128xf32, #tpu.memory_space<hbm>>
      tpu.wait_indirect_dma semaphore(%arg9 : memref<!tpu.dma_semaphore, #tpu.memory_space<semaphore_mem>>) src(%dma_wait3A_22 : memref<16384x128xf32, #tpu.memory_space<hbm>>) dst(%arg7 : memref<256x128xf32, #tpu.memory_space<vmem>>)
      "tpu.region"() ({
        %run_scoped3A = tpu.sem_alloc : memref<!tpu.dma_semaphore, #tpu.memory_space<semaphore_mem>>
        %dma_start3A_26 = arith.constant 0 : i32
        %dma_start3A_27 = tpu.memref_slice %arg4[%add3A_13, %dma_start3A_26] : memref<524288x128xf32, #tpu.memory_space<hbm>> -> memref<256x128xf32, #tpu.memory_space<hbm>>
        %dma_start3A_28 = arith.constant 0 : i32
        %dma_start3A_29 = tpu.memref_slice %arg4[%add3A_13, %dma_start3A_28] : memref<524288x128xf32, #tpu.memory_space<hbm>> -> memref<256x128xf32, #tpu.memory_space<hbm>>
        tpu.enqueue_dma source(%arg7 : memref<256x128xf32, #tpu.memory_space<vmem>>) target(%dma_start3A_29 : memref<256x128xf32, #tpu.memory_space<hbm>>) target_semaphore(%run_scoped3A : memref<!tpu.dma_semaphore, #tpu.memory_space<semaphore_mem>>)
        %dma_wait3A_30 = arith.constant 0 : i32
        %dma_wait3A_31 = tpu.memref_slice %arg4[%add3A_13, %dma_wait3A_30] : memref<524288x128xf32, #tpu.memory_space<hbm>> -> memref<256x128xf32, #tpu.memory_space<hbm>>
        %dma_wait3A_32 = arith.constant 0 : i32
        %dma_wait3A_33 = tpu.memref_slice %arg4[%add3A_13, %dma_wait3A_32] : memref<524288x128xf32, #tpu.memory_space<hbm>> -> memref<256x128xf32, #tpu.memory_space<hbm>>
        tpu.wait_dma2 semaphore(%run_scoped3A : memref<!tpu.dma_semaphore, #tpu.memory_space<semaphore_mem>>) src(%arg7 : memref<256x128xf32, #tpu.memory_space<vmem>>) dst(%dma_wait3A_33 : memref<256x128xf32, #tpu.memory_space<hbm>>)
        tpu.yield
      }) : () -> ()
      %dma_wait3A_23 = arith.constant 0 : i32
      %dma_wait3A_24 = arith.constant 0 : i32
      %dma_wait3A_25 = tpu.memref_slice %arg2[%dma_wait3A_23, %dma_wait3A_24] : memref<16384x128xf32, #tpu.memory_space<hbm>> -> memref<16384x128xf32, #tpu.memory_space<hbm>>
      tpu.wait_indirect_dma semaphore(%arg10 : memref<!tpu.dma_semaphore, #tpu.memory_space<semaphore_mem>>) src(%dma_wait3A_25 : memref<16384x128xf32, #tpu.memory_space<hbm>>) dst(%arg8 : memref<256x128xf32, #tpu.memory_space<vmem>>)
      "tpu.region"() ({
        %run_scoped3A = tpu.sem_alloc : memref<!tpu.dma_semaphore, #tpu.memory_space<semaphore_mem>>
        %dma_start3A_26 = arith.constant 0 : i32
        %dma_start3A_27 = tpu.memref_slice %arg4[%add3A_15, %dma_start3A_26] : memref<524288x128xf32, #tpu.memory_space<hbm>> -> memref<256x128xf32, #tpu.memory_space<hbm>>
        %dma_start3A_28 = arith.constant 0 : i32
        %dma_start3A_29 = tpu.memref_slice %arg4[%add3A_15, %dma_start3A_28] : memref<524288x128xf32, #tpu.memory_space<hbm>> -> memref<256x128xf32, #tpu.memory_space<hbm>>
        tpu.enqueue_dma source(%arg8 : memref<256x128xf32, #tpu.memory_space<vmem>>) target(%dma_start3A_29 : memref<256x128xf32, #tpu.memory_space<hbm>>) target_semaphore(%run_scoped3A : memref<!tpu.dma_semaphore, #tpu.memory_space<semaphore_mem>>)
        %dma_wait3A_30 = arith.constant 0 : i32
        %dma_wait3A_31 = tpu.memref_slice %arg4[%add3A_15, %dma_wait3A_30] : memref<524288x128xf32, #tpu.memory_space<hbm>> -> memref<256x128xf32, #tpu.memory_space<hbm>>
        %dma_wait3A_32 = arith.constant 0 : i32
        %dma_wait3A_33 = tpu.memref_slice %arg4[%add3A_15, %dma_wait3A_32] : memref<524288x128xf32, #tpu.memory_space<hbm>> -> memref<256x128xf32, #tpu.memory_space<hbm>>
        tpu.wait_dma2 semaphore(%run_scoped3A : memref<!tpu.dma_semaphore, #tpu.memory_space<semaphore_mem>>) src(%arg8 : memref<256x128xf32, #tpu.memory_space<vmem>>) dst(%dma_wait3A_33 : memref<256x128xf32, #tpu.memory_space<hbm>>)
        tpu.yield
      }) : () -> ()
    }
    %scan3A_7 = arith.constant 32 : i32
    return
  }
}

module attributes {stable_mosaic.version = 14 : i64} {
  func.func @_k1_body(%arg0: i32, %arg1: i32, %arg2: memref<1x512x8xf32, #tpu.memory_space<vmem>>, %arg3: memref<1x8x2048xf32, #tpu.memory_space<vmem>>, %arg4: memref<1x512x64xf32, #tpu.memory_space<vmem>>, %arg5: memref<8x128xf32, #tpu.memory_space<vmem>>, %arg6: memref<64x128xf32, #tpu.memory_space<vmem>>, %arg7: memref<1x512x32xi32, #tpu.memory_space<vmem>>, %arg8: memref<1x512x128xf32, #tpu.memory_space<vmem>>, %arg9: memref<1x512x128xf32, #tpu.memory_space<vmem>>) attributes {dimension_semantics = [#tpu.dimension_semantics<arbitrary>, #tpu.dimension_semantics<arbitrary>], iteration_bounds = array<i64: 8, 4>, scalar_prefetch = 0 : i64, scratch_operands = 0 : i64, tpu.core_type = #tpu.core_type<tc>, window_params = [{transform_indices = @transform_0, window_bounds = array<i64: 1, 512, 8>}, {transform_indices = @transform_1, window_bounds = array<i64: 1, 8, 2048>}, {transform_indices = @transform_2, window_bounds = array<i64: 1, 512, 64>}, {pipeline_mode = #tpu.pipeline_mode<synchronous>, transform_indices = @transform_3, window_bounds = array<i64: 8, 128>}, {pipeline_mode = #tpu.pipeline_mode<synchronous>, transform_indices = @transform_4, window_bounds = array<i64: 64, 128>}, {transform_indices = @transform_5, window_bounds = array<i64: 1, 512, 32>}, {transform_indices = @transform_6, window_bounds = array<i64: 1, 512, 128>}, {transform_indices = @transform_7, window_bounds = array<i64: 1, 512, 128>}]} {
    %get3A = arith.constant 0 : index
    %get3A_0 = arith.constant 0 : index
    %get3A_1 = arith.constant 0 : index
    %get3A_2 = vector.load %arg2[%get3A, %get3A_0, %get3A_1] : memref<1x512x8xf32, #tpu.memory_space<vmem>>, vector<1x512x8xf32>
    %get3A_3 = vector.shape_cast %get3A_2 : vector<1x512x8xf32> to vector<512x8xf32>
    %get3A_4 = arith.constant 0 : index
    %get3A_5 = arith.constant 0 : index
    %get3A_6 = arith.constant 0 : index
    %get3A_7 = vector.load %arg3[%get3A_4, %get3A_5, %get3A_6] : memref<1x8x2048xf32, #tpu.memory_space<vmem>>, vector<1x8x2048xf32>
    %get3A_8 = vector.shape_cast %get3A_7 : vector<1x8x2048xf32> to vector<8x2048xf32>
    %dot_general3A = arith.constant dense<0.000000e+00> : vector<512x2048xf32>
    %dot_general3A_9 = tpu.matmul %get3A_3, %get3A_8, %dot_general3A {dimension_numbers = #tpu.dot_dimension_numbers<[1], [0], [0], [1], [0, 0, 1, 1], [], []>, transpose_lhs_hint = false} : vector<512x8xf32>, vector<8x2048xf32>, vector<512x2048xf32> -> vector<512x2048xf32>
    %mul3A = arith.mulf %get3A_3, %get3A_3 : vector<512x8xf32>
    %reduce_sum3A = arith.constant dense<0.000000e+00> : vector<512xf32>
    %reduce_sum3A_10 = vector.multi_reduction <add>, %mul3A, %reduce_sum3A [1] : vector<512x8xf32> to vector<512xf32>
    %broadcast_in_dim3A = vector.shape_cast %reduce_sum3A_10 : vector<512xf32> to vector<512x1xf32>
    %mul3A_11 = arith.mulf %get3A_8, %get3A_8 : vector<8x2048xf32>
    %reduce_sum3A_12 = arith.constant dense<0.000000e+00> : vector<2048xf32>
    %reduce_sum3A_13 = vector.multi_reduction <add>, %mul3A_11, %reduce_sum3A_12 [0] : vector<8x2048xf32> to vector<2048xf32>
    %broadcast_in_dim3A_14 = vector.shape_cast %reduce_sum3A_13 : vector<2048xf32> to vector<1x2048xf32>
    %mul3A_15 = arith.constant -2.000000e+00 : f32
    %mul3A_16 = vector.broadcast %mul3A_15 : f32 to vector<512x2048xf32>
    %mul3A_17 = arith.mulf %mul3A_16, %dot_general3A_9 : vector<512x2048xf32>
    %add3A = vector.broadcast %broadcast_in_dim3A_14 : vector<1x2048xf32> to vector<512x2048xf32>
    %add3A_18 = arith.addf %mul3A_17, %add3A : vector<512x2048xf32>
    %add3A_19 = vector.broadcast %broadcast_in_dim3A : vector<512x1xf32> to vector<512x2048xf32>
    %add3A_20 = arith.addf %add3A_18, %add3A_19 : vector<512x2048xf32>
    %iota3A = tpu.iota {dimensions = array<i32: 1>} : vector<512x2048xi32>
    %argmin3A = tpu.reduce_index %add3A_20 {axis = 1 : i32, kind = #tpu.reduction_kind<arg_min>} : vector<512x2048xf32> -> vector<512xi32>
    %broadcast_in_dim3A_21 = vector.shape_cast %argmin3A : vector<512xi32> to vector<512x1xi32>
    %eq3A = vector.broadcast %broadcast_in_dim3A_21 : vector<512x1xi32> to vector<512x2048xi32>
    %eq3A_22 = arith.cmpi eq, %iota3A, %eq3A : vector<512x2048xi32>
    %jit3A = arith.constant 0x7F800000 : f32
    %broadcast_in_dim3A_23 = vector.broadcast %jit3A : f32 to vector<512x2048xf32>
    %select_n3A = arith.select %eq3A_22, %broadcast_in_dim3A_23, %add3A_20 : vector<512x2048xi1>, vector<512x2048xf32>
    %argmin3A_24 = tpu.reduce_index %select_n3A {axis = 1 : i32, kind = #tpu.reduction_kind<arg_min>} : vector<512x2048xf32> -> vector<512xi32>
    %broadcast_in_dim3A_25 = vector.shape_cast %argmin3A_24 : vector<512xi32> to vector<512x1xi32>
    %eq3A_26 = vector.broadcast %broadcast_in_dim3A_25 : vector<512x1xi32> to vector<512x2048xi32>
    %eq3A_27 = arith.cmpi eq, %iota3A, %eq3A_26 : vector<512x2048xi32>
    %jit3A_28 = arith.constant 0x7F800000 : f32
    %broadcast_in_dim3A_29 = vector.broadcast %jit3A_28 : f32 to vector<512x2048xf32>
    %select_n3A_30 = arith.select %eq3A_27, %broadcast_in_dim3A_29, %select_n3A : vector<512x2048xi1>, vector<512x2048xf32>
    %argmin3A_31 = tpu.reduce_index %select_n3A_30 {axis = 1 : i32, kind = #tpu.reduction_kind<arg_min>} : vector<512x2048xf32> -> vector<512xi32>
    %broadcast_in_dim3A_32 = vector.shape_cast %argmin3A_31 : vector<512xi32> to vector<512x1xi32>
    %eq3A_33 = vector.broadcast %broadcast_in_dim3A_32 : vector<512x1xi32> to vector<512x2048xi32>
    %eq3A_34 = arith.cmpi eq, %iota3A, %eq3A_33 : vector<512x2048xi32>
    %jit3A_35 = arith.constant 0x7F800000 : f32
    %broadcast_in_dim3A_36 = vector.broadcast %jit3A_35 : f32 to vector<512x2048xf32>
    %select_n3A_37 = arith.select %eq3A_34, %broadcast_in_dim3A_36, %select_n3A_30 : vector<512x2048xi1>, vector<512x2048xf32>
    %argmin3A_38 = tpu.reduce_index %select_n3A_37 {axis = 1 : i32, kind = #tpu.reduction_kind<arg_min>} : vector<512x2048xf32> -> vector<512xi32>
    %broadcast_in_dim3A_39 = vector.shape_cast %argmin3A_38 : vector<512xi32> to vector<512x1xi32>
    %eq3A_40 = vector.broadcast %broadcast_in_dim3A_39 : vector<512x1xi32> to vector<512x2048xi32>
    %eq3A_41 = arith.cmpi eq, %iota3A, %eq3A_40 : vector<512x2048xi32>
    %jit3A_42 = arith.constant 0x7F800000 : f32
    %broadcast_in_dim3A_43 = vector.broadcast %jit3A_42 : f32 to vector<512x2048xf32>
    %select_n3A_44 = arith.select %eq3A_41, %broadcast_in_dim3A_43, %select_n3A_37 : vector<512x2048xi1>, vector<512x2048xf32>
    %argmin3A_45 = tpu.reduce_index %select_n3A_44 {axis = 1 : i32, kind = #tpu.reduction_kind<arg_min>} : vector<512x2048xf32> -> vector<512xi32>
    %broadcast_in_dim3A_46 = vector.shape_cast %argmin3A_45 : vector<512xi32> to vector<512x1xi32>
    %eq3A_47 = vector.broadcast %broadcast_in_dim3A_46 : vector<512x1xi32> to vector<512x2048xi32>
    %eq3A_48 = arith.cmpi eq, %iota3A, %eq3A_47 : vector<512x2048xi32>
    %jit3A_49 = arith.constant 0x7F800000 : f32
    %broadcast_in_dim3A_50 = vector.broadcast %jit3A_49 : f32 to vector<512x2048xf32>
    %select_n3A_51 = arith.select %eq3A_48, %broadcast_in_dim3A_50, %select_n3A_44 : vector<512x2048xi1>, vector<512x2048xf32>
    %argmin3A_52 = tpu.reduce_index %select_n3A_51 {axis = 1 : i32, kind = #tpu.reduction_kind<arg_min>} : vector<512x2048xf32> -> vector<512xi32>
    %broadcast_in_dim3A_53 = vector.shape_cast %argmin3A_52 : vector<512xi32> to vector<512x1xi32>
    %eq3A_54 = vector.broadcast %broadcast_in_dim3A_53 : vector<512x1xi32> to vector<512x2048xi32>
    %eq3A_55 = arith.cmpi eq, %iota3A, %eq3A_54 : vector<512x2048xi32>
    %jit3A_56 = arith.constant 0x7F800000 : f32
    %broadcast_in_dim3A_57 = vector.broadcast %jit3A_56 : f32 to vector<512x2048xf32>
    %select_n3A_58 = arith.select %eq3A_55, %broadcast_in_dim3A_57, %select_n3A_51 : vector<512x2048xi1>, vector<512x2048xf32>
    %argmin3A_59 = tpu.reduce_index %select_n3A_58 {axis = 1 : i32, kind = #tpu.reduction_kind<arg_min>} : vector<512x2048xf32> -> vector<512xi32>
    %broadcast_in_dim3A_60 = vector.shape_cast %argmin3A_59 : vector<512xi32> to vector<512x1xi32>
    %eq3A_61 = vector.broadcast %broadcast_in_dim3A_60 : vector<512x1xi32> to vector<512x2048xi32>
    %eq3A_62 = arith.cmpi eq, %iota3A, %eq3A_61 : vector<512x2048xi32>
    %jit3A_63 = arith.constant 0x7F800000 : f32
    %broadcast_in_dim3A_64 = vector.broadcast %jit3A_63 : f32 to vector<512x2048xf32>
    %select_n3A_65 = arith.select %eq3A_62, %broadcast_in_dim3A_64, %select_n3A_58 : vector<512x2048xi1>, vector<512x2048xf32>
    %argmin3A_66 = tpu.reduce_index %select_n3A_65 {axis = 1 : i32, kind = #tpu.reduction_kind<arg_min>} : vector<512x2048xf32> -> vector<512xi32>
    %broadcast_in_dim3A_67 = vector.shape_cast %argmin3A_66 : vector<512xi32> to vector<512x1xi32>
    %eq3A_68 = vector.broadcast %broadcast_in_dim3A_67 : vector<512x1xi32> to vector<512x2048xi32>
    %eq3A_69 = arith.cmpi eq, %iota3A, %eq3A_68 : vector<512x2048xi32>
    %jit3A_70 = arith.constant 0x7F800000 : f32
    %broadcast_in_dim3A_71 = vector.broadcast %jit3A_70 : f32 to vector<512x2048xf32>
    %select_n3A_72 = arith.select %eq3A_69, %broadcast_in_dim3A_71, %select_n3A_65 : vector<512x2048xi1>, vector<512x2048xf32>
    %argmin3A_73 = tpu.reduce_index %select_n3A_72 {axis = 1 : i32, kind = #tpu.reduction_kind<arg_min>} : vector<512x2048xf32> -> vector<512xi32>
    %broadcast_in_dim3A_74 = vector.shape_cast %argmin3A_73 : vector<512xi32> to vector<512x1xi32>
    %eq3A_75 = vector.broadcast %broadcast_in_dim3A_74 : vector<512x1xi32> to vector<512x2048xi32>
    %eq3A_76 = arith.cmpi eq, %iota3A, %eq3A_75 : vector<512x2048xi32>
    %jit3A_77 = arith.constant 0x7F800000 : f32
    %broadcast_in_dim3A_78 = vector.broadcast %jit3A_77 : f32 to vector<512x2048xf32>
    %select_n3A_79 = arith.select %eq3A_76, %broadcast_in_dim3A_78, %select_n3A_72 : vector<512x2048xi1>, vector<512x2048xf32>
    %argmin3A_80 = tpu.reduce_index %select_n3A_79 {axis = 1 : i32, kind = #tpu.reduction_kind<arg_min>} : vector<512x2048xf32> -> vector<512xi32>
    %broadcast_in_dim3A_81 = vector.shape_cast %argmin3A_80 : vector<512xi32> to vector<512x1xi32>
    %eq3A_82 = vector.broadcast %broadcast_in_dim3A_81 : vector<512x1xi32> to vector<512x2048xi32>
    %eq3A_83 = arith.cmpi eq, %iota3A, %eq3A_82 : vector<512x2048xi32>
    %jit3A_84 = arith.constant 0x7F800000 : f32
    %broadcast_in_dim3A_85 = vector.broadcast %jit3A_84 : f32 to vector<512x2048xf32>
    %select_n3A_86 = arith.select %eq3A_83, %broadcast_in_dim3A_85, %select_n3A_79 : vector<512x2048xi1>, vector<512x2048xf32>
    %argmin3A_87 = tpu.reduce_index %select_n3A_86 {axis = 1 : i32, kind = #tpu.reduction_kind<arg_min>} : vector<512x2048xf32> -> vector<512xi32>
    %broadcast_in_dim3A_88 = vector.shape_cast %argmin3A_87 : vector<512xi32> to vector<512x1xi32>
    %eq3A_89 = vector.broadcast %broadcast_in_dim3A_88 : vector<512x1xi32> to vector<512x2048xi32>
    %eq3A_90 = arith.cmpi eq, %iota3A, %eq3A_89 : vector<512x2048xi32>
    %jit3A_91 = arith.constant 0x7F800000 : f32
    %broadcast_in_dim3A_92 = vector.broadcast %jit3A_91 : f32 to vector<512x2048xf32>
    %select_n3A_93 = arith.select %eq3A_90, %broadcast_in_dim3A_92, %select_n3A_86 : vector<512x2048xi1>, vector<512x2048xf32>
    %argmin3A_94 = tpu.reduce_index %select_n3A_93 {axis = 1 : i32, kind = #tpu.reduction_kind<arg_min>} : vector<512x2048xf32> -> vector<512xi32>
    %broadcast_in_dim3A_95 = vector.shape_cast %argmin3A_94 : vector<512xi32> to vector<512x1xi32>
    %eq3A_96 = vector.broadcast %broadcast_in_dim3A_95 : vector<512x1xi32> to vector<512x2048xi32>
    %eq3A_97 = arith.cmpi eq, %iota3A, %eq3A_96 : vector<512x2048xi32>
    %jit3A_98 = arith.constant 0x7F800000 : f32
    %broadcast_in_dim3A_99 = vector.broadcast %jit3A_98 : f32 to vector<512x2048xf32>
    %select_n3A_100 = arith.select %eq3A_97, %broadcast_in_dim3A_99, %select_n3A_93 : vector<512x2048xi1>, vector<512x2048xf32>
    %argmin3A_101 = tpu.reduce_index %select_n3A_100 {axis = 1 : i32, kind = #tpu.reduction_kind<arg_min>} : vector<512x2048xf32> -> vector<512xi32>
    %broadcast_in_dim3A_102 = vector.shape_cast %argmin3A_101 : vector<512xi32> to vector<512x1xi32>
    %eq3A_103 = vector.broadcast %broadcast_in_dim3A_102 : vector<512x1xi32> to vector<512x2048xi32>
    %eq3A_104 = arith.cmpi eq, %iota3A, %eq3A_103 : vector<512x2048xi32>
    %jit3A_105 = arith.constant 0x7F800000 : f32
    %broadcast_in_dim3A_106 = vector.broadcast %jit3A_105 : f32 to vector<512x2048xf32>
    %select_n3A_107 = arith.select %eq3A_104, %broadcast_in_dim3A_106, %select_n3A_100 : vector<512x2048xi1>, vector<512x2048xf32>
    %argmin3A_108 = tpu.reduce_index %select_n3A_107 {axis = 1 : i32, kind = #tpu.reduction_kind<arg_min>} : vector<512x2048xf32> -> vector<512xi32>
    %broadcast_in_dim3A_109 = vector.shape_cast %argmin3A_108 : vector<512xi32> to vector<512x1xi32>
    %eq3A_110 = vector.broadcast %broadcast_in_dim3A_109 : vector<512x1xi32> to vector<512x2048xi32>
    %eq3A_111 = arith.cmpi eq, %iota3A, %eq3A_110 : vector<512x2048xi32>
    %jit3A_112 = arith.constant 0x7F800000 : f32
    %broadcast_in_dim3A_113 = vector.broadcast %jit3A_112 : f32 to vector<512x2048xf32>
    %select_n3A_114 = arith.select %eq3A_111, %broadcast_in_dim3A_113, %select_n3A_107 : vector<512x2048xi1>, vector<512x2048xf32>
    %argmin3A_115 = tpu.reduce_index %select_n3A_114 {axis = 1 : i32, kind = #tpu.reduction_kind<arg_min>} : vector<512x2048xf32> -> vector<512xi32>
    %broadcast_in_dim3A_116 = vector.shape_cast %argmin3A_115 : vector<512xi32> to vector<512x1xi32>
    %eq3A_117 = vector.broadcast %broadcast_in_dim3A_116 : vector<512x1xi32> to vector<512x2048xi32>
    %eq3A_118 = arith.cmpi eq, %iota3A, %eq3A_117 : vector<512x2048xi32>
    %jit3A_119 = arith.constant 0x7F800000 : f32
    %broadcast_in_dim3A_120 = vector.broadcast %jit3A_119 : f32 to vector<512x2048xf32>
    %select_n3A_121 = arith.select %eq3A_118, %broadcast_in_dim3A_120, %select_n3A_114 : vector<512x2048xi1>, vector<512x2048xf32>
    %argmin3A_122 = tpu.reduce_index %select_n3A_121 {axis = 1 : i32, kind = #tpu.reduction_kind<arg_min>} : vector<512x2048xf32> -> vector<512xi32>
    %broadcast_in_dim3A_123 = vector.shape_cast %argmin3A_122 : vector<512xi32> to vector<512x1xi32>
    %eq3A_124 = vector.broadcast %broadcast_in_dim3A_123 : vector<512x1xi32> to vector<512x2048xi32>
    %eq3A_125 = arith.cmpi eq, %iota3A, %eq3A_124 : vector<512x2048xi32>
    %jit3A_126 = arith.constant 0x7F800000 : f32
    %broadcast_in_dim3A_127 = vector.broadcast %jit3A_126 : f32 to vector<512x2048xf32>
    %select_n3A_128 = arith.select %eq3A_125, %broadcast_in_dim3A_127, %select_n3A_121 : vector<512x2048xi1>, vector<512x2048xf32>
    %argmin3A_129 = tpu.reduce_index %select_n3A_128 {axis = 1 : i32, kind = #tpu.reduction_kind<arg_min>} : vector<512x2048xf32> -> vector<512xi32>
    %broadcast_in_dim3A_130 = vector.shape_cast %argmin3A_129 : vector<512xi32> to vector<512x1xi32>
    %eq3A_131 = vector.broadcast %broadcast_in_dim3A_130 : vector<512x1xi32> to vector<512x2048xi32>
    %eq3A_132 = arith.cmpi eq, %iota3A, %eq3A_131 : vector<512x2048xi32>
    %jit3A_133 = arith.constant 0x7F800000 : f32
    %broadcast_in_dim3A_134 = vector.broadcast %jit3A_133 : f32 to vector<512x2048xf32>
    %select_n3A_135 = arith.select %eq3A_132, %broadcast_in_dim3A_134, %select_n3A_128 : vector<512x2048xi1>, vector<512x2048xf32>
    %argmin3A_136 = tpu.reduce_index %select_n3A_135 {axis = 1 : i32, kind = #tpu.reduction_kind<arg_min>} : vector<512x2048xf32> -> vector<512xi32>
    %broadcast_in_dim3A_137 = vector.shape_cast %argmin3A_136 : vector<512xi32> to vector<512x1xi32>
    %eq3A_138 = vector.broadcast %broadcast_in_dim3A_137 : vector<512x1xi32> to vector<512x2048xi32>
    %eq3A_139 = arith.cmpi eq, %iota3A, %eq3A_138 : vector<512x2048xi32>
    %jit3A_140 = arith.constant 0x7F800000 : f32
    %broadcast_in_dim3A_141 = vector.broadcast %jit3A_140 : f32 to vector<512x2048xf32>
    %select_n3A_142 = arith.select %eq3A_139, %broadcast_in_dim3A_141, %select_n3A_135 : vector<512x2048xi1>, vector<512x2048xf32>
    %argmin3A_143 = tpu.reduce_index %select_n3A_142 {axis = 1 : i32, kind = #tpu.reduction_kind<arg_min>} : vector<512x2048xf32> -> vector<512xi32>
    %broadcast_in_dim3A_144 = vector.shape_cast %argmin3A_143 : vector<512xi32> to vector<512x1xi32>
    %eq3A_145 = vector.broadcast %broadcast_in_dim3A_144 : vector<512x1xi32> to vector<512x2048xi32>
    %eq3A_146 = arith.cmpi eq, %iota3A, %eq3A_145 : vector<512x2048xi32>
    %jit3A_147 = arith.constant 0x7F800000 : f32
    %broadcast_in_dim3A_148 = vector.broadcast %jit3A_147 : f32 to vector<512x2048xf32>
    %select_n3A_149 = arith.select %eq3A_146, %broadcast_in_dim3A_148, %select_n3A_142 : vector<512x2048xi1>, vector<512x2048xf32>
    %argmin3A_150 = tpu.reduce_index %select_n3A_149 {axis = 1 : i32, kind = #tpu.reduction_kind<arg_min>} : vector<512x2048xf32> -> vector<512xi32>
    %broadcast_in_dim3A_151 = vector.shape_cast %argmin3A_150 : vector<512xi32> to vector<512x1xi32>
    %eq3A_152 = vector.broadcast %broadcast_in_dim3A_151 : vector<512x1xi32> to vector<512x2048xi32>
    %eq3A_153 = arith.cmpi eq, %iota3A, %eq3A_152 : vector<512x2048xi32>
    %jit3A_154 = arith.constant 0x7F800000 : f32
    %broadcast_in_dim3A_155 = vector.broadcast %jit3A_154 : f32 to vector<512x2048xf32>
    %select_n3A_156 = arith.select %eq3A_153, %broadcast_in_dim3A_155, %select_n3A_149 : vector<512x2048xi1>, vector<512x2048xf32>
    %argmin3A_157 = tpu.reduce_index %select_n3A_156 {axis = 1 : i32, kind = #tpu.reduction_kind<arg_min>} : vector<512x2048xf32> -> vector<512xi32>
    %broadcast_in_dim3A_158 = vector.shape_cast %argmin3A_157 : vector<512xi32> to vector<512x1xi32>
    %eq3A_159 = vector.broadcast %broadcast_in_dim3A_158 : vector<512x1xi32> to vector<512x2048xi32>
    %eq3A_160 = arith.cmpi eq, %iota3A, %eq3A_159 : vector<512x2048xi32>
    %jit3A_161 = arith.constant 0x7F800000 : f32
    %broadcast_in_dim3A_162 = vector.broadcast %jit3A_161 : f32 to vector<512x2048xf32>
    %select_n3A_163 = arith.select %eq3A_160, %broadcast_in_dim3A_162, %select_n3A_156 : vector<512x2048xi1>, vector<512x2048xf32>
    %argmin3A_164 = tpu.reduce_index %select_n3A_163 {axis = 1 : i32, kind = #tpu.reduction_kind<arg_min>} : vector<512x2048xf32> -> vector<512xi32>
    %broadcast_in_dim3A_165 = vector.shape_cast %argmin3A_164 : vector<512xi32> to vector<512x1xi32>
    %eq3A_166 = vector.broadcast %broadcast_in_dim3A_165 : vector<512x1xi32> to vector<512x2048xi32>
    %eq3A_167 = arith.cmpi eq, %iota3A, %eq3A_166 : vector<512x2048xi32>
    %jit3A_168 = arith.constant 0x7F800000 : f32
    %broadcast_in_dim3A_169 = vector.broadcast %jit3A_168 : f32 to vector<512x2048xf32>
    %select_n3A_170 = arith.select %eq3A_167, %broadcast_in_dim3A_169, %select_n3A_163 : vector<512x2048xi1>, vector<512x2048xf32>
    %argmin3A_171 = tpu.reduce_index %select_n3A_170 {axis = 1 : i32, kind = #tpu.reduction_kind<arg_min>} : vector<512x2048xf32> -> vector<512xi32>
    %broadcast_in_dim3A_172 = vector.shape_cast %argmin3A_171 : vector<512xi32> to vector<512x1xi32>
    %eq3A_173 = vector.broadcast %broadcast_in_dim3A_172 : vector<512x1xi32> to vector<512x2048xi32>
    %eq3A_174 = arith.cmpi eq, %iota3A, %eq3A_173 : vector<512x2048xi32>
    %jit3A_175 = arith.constant 0x7F800000 : f32
    %broadcast_in_dim3A_176 = vector.broadcast %jit3A_175 : f32 to vector<512x2048xf32>
    %select_n3A_177 = arith.select %eq3A_174, %broadcast_in_dim3A_176, %select_n3A_170 : vector<512x2048xi1>, vector<512x2048xf32>
    %argmin3A_178 = tpu.reduce_index %select_n3A_177 {axis = 1 : i32, kind = #tpu.reduction_kind<arg_min>} : vector<512x2048xf32> -> vector<512xi32>
    %broadcast_in_dim3A_179 = vector.shape_cast %argmin3A_178 : vector<512xi32> to vector<512x1xi32>
    %eq3A_180 = vector.broadcast %broadcast_in_dim3A_179 : vector<512x1xi32> to vector<512x2048xi32>
    %eq3A_181 = arith.cmpi eq, %iota3A, %eq3A_180 : vector<512x2048xi32>
    %jit3A_182 = arith.constant 0x7F800000 : f32
    %broadcast_in_dim3A_183 = vector.broadcast %jit3A_182 : f32 to vector<512x2048xf32>
    %select_n3A_184 = arith.select %eq3A_181, %broadcast_in_dim3A_183, %select_n3A_177 : vector<512x2048xi1>, vector<512x2048xf32>
    %argmin3A_185 = tpu.reduce_index %select_n3A_184 {axis = 1 : i32, kind = #tpu.reduction_kind<arg_min>} : vector<512x2048xf32> -> vector<512xi32>
    %broadcast_in_dim3A_186 = vector.shape_cast %argmin3A_185 : vector<512xi32> to vector<512x1xi32>
    %eq3A_187 = vector.broadcast %broadcast_in_dim3A_186 : vector<512x1xi32> to vector<512x2048xi32>
    %eq3A_188 = arith.cmpi eq, %iota3A, %eq3A_187 : vector<512x2048xi32>
    %jit3A_189 = arith.constant 0x7F800000 : f32
    %broadcast_in_dim3A_190 = vector.broadcast %jit3A_189 : f32 to vector<512x2048xf32>
    %select_n3A_191 = arith.select %eq3A_188, %broadcast_in_dim3A_190, %select_n3A_184 : vector<512x2048xi1>, vector<512x2048xf32>
    %argmin3A_192 = tpu.reduce_index %select_n3A_191 {axis = 1 : i32, kind = #tpu.reduction_kind<arg_min>} : vector<512x2048xf32> -> vector<512xi32>
    %broadcast_in_dim3A_193 = vector.shape_cast %argmin3A_192 : vector<512xi32> to vector<512x1xi32>
    %eq3A_194 = vector.broadcast %broadcast_in_dim3A_193 : vector<512x1xi32> to vector<512x2048xi32>
    %eq3A_195 = arith.cmpi eq, %iota3A, %eq3A_194 : vector<512x2048xi32>
    %jit3A_196 = arith.constant 0x7F800000 : f32
    %broadcast_in_dim3A_197 = vector.broadcast %jit3A_196 : f32 to vector<512x2048xf32>
    %select_n3A_198 = arith.select %eq3A_195, %broadcast_in_dim3A_197, %select_n3A_191 : vector<512x2048xi1>, vector<512x2048xf32>
    %argmin3A_199 = tpu.reduce_index %select_n3A_198 {axis = 1 : i32, kind = #tpu.reduction_kind<arg_min>} : vector<512x2048xf32> -> vector<512xi32>
    %broadcast_in_dim3A_200 = vector.shape_cast %argmin3A_199 : vector<512xi32> to vector<512x1xi32>
    %eq3A_201 = vector.broadcast %broadcast_in_dim3A_200 : vector<512x1xi32> to vector<512x2048xi32>
    %eq3A_202 = arith.cmpi eq, %iota3A, %eq3A_201 : vector<512x2048xi32>
    %jit3A_203 = arith.constant 0x7F800000 : f32
    %broadcast_in_dim3A_204 = vector.broadcast %jit3A_203 : f32 to vector<512x2048xf32>
    %select_n3A_205 = arith.select %eq3A_202, %broadcast_in_dim3A_204, %select_n3A_198 : vector<512x2048xi1>, vector<512x2048xf32>
    %argmin3A_206 = tpu.reduce_index %select_n3A_205 {axis = 1 : i32, kind = #tpu.reduction_kind<arg_min>} : vector<512x2048xf32> -> vector<512xi32>
    %broadcast_in_dim3A_207 = vector.shape_cast %argmin3A_206 : vector<512xi32> to vector<512x1xi32>
    %eq3A_208 = vector.broadcast %broadcast_in_dim3A_207 : vector<512x1xi32> to vector<512x2048xi32>
    %eq3A_209 = arith.cmpi eq, %iota3A, %eq3A_208 : vector<512x2048xi32>
    %jit3A_210 = arith.constant 0x7F800000 : f32
    %broadcast_in_dim3A_211 = vector.broadcast %jit3A_210 : f32 to vector<512x2048xf32>
    %select_n3A_212 = arith.select %eq3A_209, %broadcast_in_dim3A_211, %select_n3A_205 : vector<512x2048xi1>, vector<512x2048xf32>
    %argmin3A_213 = tpu.reduce_index %select_n3A_212 {axis = 1 : i32, kind = #tpu.reduction_kind<arg_min>} : vector<512x2048xf32> -> vector<512xi32>
    %broadcast_in_dim3A_214 = vector.shape_cast %argmin3A_213 : vector<512xi32> to vector<512x1xi32>
    %eq3A_215 = vector.broadcast %broadcast_in_dim3A_214 : vector<512x1xi32> to vector<512x2048xi32>
    %eq3A_216 = arith.cmpi eq, %iota3A, %eq3A_215 : vector<512x2048xi32>
    %jit3A_217 = arith.constant 0x7F800000 : f32
    %broadcast_in_dim3A_218 = vector.broadcast %jit3A_217 : f32 to vector<512x2048xf32>
    %select_n3A_219 = arith.select %eq3A_216, %broadcast_in_dim3A_218, %select_n3A_212 : vector<512x2048xi1>, vector<512x2048xf32>
    %argmin3A_220 = tpu.reduce_index %select_n3A_219 {axis = 1 : i32, kind = #tpu.reduction_kind<arg_min>} : vector<512x2048xf32> -> vector<512xi32>
    %broadcast_in_dim3A_221 = vector.shape_cast %argmin3A_220 : vector<512xi32> to vector<512x1xi32>
    %eq3A_222 = vector.broadcast %broadcast_in_dim3A_221 : vector<512x1xi32> to vector<512x2048xi32>
    %eq3A_223 = arith.cmpi eq, %iota3A, %eq3A_222 : vector<512x2048xi32>
    %jit3A_224 = arith.constant 0x7F800000 : f32
    %broadcast_in_dim3A_225 = vector.broadcast %jit3A_224 : f32 to vector<512x2048xf32>
    %select_n3A_226 = arith.select %eq3A_223, %broadcast_in_dim3A_225, %select_n3A_219 : vector<512x2048xi1>, vector<512x2048xf32>
    %argmin3A_227 = tpu.reduce_index %select_n3A_226 {axis = 1 : i32, kind = #tpu.reduction_kind<arg_min>} : vector<512x2048xf32> -> vector<512xi32>
    %broadcast_in_dim3A_228 = vector.shape_cast %argmin3A_227 : vector<512xi32> to vector<512x1xi32>
    %eq3A_229 = vector.broadcast %broadcast_in_dim3A_228 : vector<512x1xi32> to vector<512x2048xi32>
    %eq3A_230 = arith.cmpi eq, %iota3A, %eq3A_229 : vector<512x2048xi32>
    %jit3A_231 = arith.constant 0x7F800000 : f32
    %broadcast_in_dim3A_232 = vector.broadcast %jit3A_231 : f32 to vector<512x2048xf32>
    %select_n3A_233 = arith.select %eq3A_230, %broadcast_in_dim3A_232, %select_n3A_226 : vector<512x2048xi1>, vector<512x2048xf32>
    %argmin3A_234 = tpu.reduce_index %select_n3A_233 {axis = 1 : i32, kind = #tpu.reduction_kind<arg_min>} : vector<512x2048xf32> -> vector<512xi32>
    %broadcast_in_dim3A_235 = vector.shape_cast %argmin3A_234 : vector<512xi32> to vector<512x1xi32>
    %eq3A_236 = vector.broadcast %broadcast_in_dim3A_235 : vector<512x1xi32> to vector<512x2048xi32>
    %eq3A_237 = arith.cmpi eq, %iota3A, %eq3A_236 : vector<512x2048xi32>
    %jit3A_238 = arith.constant 0x7F800000 : f32
    %broadcast_in_dim3A_239 = vector.broadcast %jit3A_238 : f32 to vector<512x2048xf32>
    %select_n3A_240 = arith.select %eq3A_237, %broadcast_in_dim3A_239, %select_n3A_233 : vector<512x2048xi1>, vector<512x2048xf32>
    %argmin3A_241 = tpu.reduce_index %select_n3A_240 {axis = 1 : i32, kind = #tpu.reduction_kind<arg_min>} : vector<512x2048xf32> -> vector<512xi32>
    %broadcast_in_dim3A_242 = vector.shape_cast %argmin3A_241 : vector<512xi32> to vector<512x1xi32>
    %concatenate3A = tpu.concatenate %broadcast_in_dim3A_25, %broadcast_in_dim3A_32, %broadcast_in_dim3A_39, %broadcast_in_dim3A_46, %broadcast_in_dim3A_53, %broadcast_in_dim3A_60, %broadcast_in_dim3A_67, %broadcast_in_dim3A_74, %broadcast_in_dim3A_81, %broadcast_in_dim3A_88, %broadcast_in_dim3A_95, %broadcast_in_dim3A_102, %broadcast_in_dim3A_109, %broadcast_in_dim3A_116, %broadcast_in_dim3A_123, %broadcast_in_dim3A_130, %broadcast_in_dim3A_137, %broadcast_in_dim3A_144, %broadcast_in_dim3A_151, %broadcast_in_dim3A_158, %broadcast_in_dim3A_165, %broadcast_in_dim3A_172, %broadcast_in_dim3A_179, %broadcast_in_dim3A_186, %broadcast_in_dim3A_193, %broadcast_in_dim3A_200, %broadcast_in_dim3A_207, %broadcast_in_dim3A_214, %broadcast_in_dim3A_221, %broadcast_in_dim3A_228, %broadcast_in_dim3A_235, %broadcast_in_dim3A_242 in 1 : vector<512x1xi32>, vector<512x1xi32>, vector<512x1xi32>, vector<512x1xi32>, vector<512x1xi32>, vector<512x1xi32>, vector<512x1xi32>, vector<512x1xi32>, vector<512x1xi32>, vector<512x1xi32>, vector<512x1xi32>, vector<512x1xi32>, vector<512x1xi32>, vector<512x1xi32>, vector<512x1xi32>, vector<512x1xi32>, vector<512x1xi32>, vector<512x1xi32>, vector<512x1xi32>, vector<512x1xi32>, vector<512x1xi32>, vector<512x1xi32>, vector<512x1xi32>, vector<512x1xi32>, vector<512x1xi32>, vector<512x1xi32>, vector<512x1xi32>, vector<512x1xi32>, vector<512x1xi32>, vector<512x1xi32>, vector<512x1xi32>, vector<512x1xi32> -> vector<512x32xi32>
    %mul3A_243 = arith.constant 2048 : i32
    %mul3A_244 = arith.muli %arg0, %mul3A_243 : i32
    %add3A_245 = vector.broadcast %mul3A_244 : i32 to vector<512x32xi32>
    %add3A_246 = arith.addi %concatenate3A, %add3A_245 : vector<512x32xi32>
    %swap3A = arith.constant 0 : index
    %swap3A_247 = arith.constant 0 : index
    %swap3A_248 = arith.constant 0 : index
    %swap3A_249 = vector.load %arg7[%swap3A, %swap3A_247, %swap3A_248] : memref<1x512x32xi32, #tpu.memory_space<vmem>>, vector<1x512x32xi32>
    %swap3A_250 = vector.shape_cast %swap3A_249 : vector<1x512x32xi32> to vector<512x32xi32>
    %swap3A_251 = vector.shape_cast %add3A_246 : vector<512x32xi32> to vector<1x512x32xi32>
    tpu.vector_store %arg7[%swap3A, %swap3A_247, %swap3A_248], %swap3A_251 {strides = array<i32>} : memref<1x512x32xi32, #tpu.memory_space<vmem>>, vector<1x512x32xi32>,
    %get3A_252 = arith.constant 0 : index
    %get3A_253 = arith.constant 0 : index
    %get3A_254 = vector.load %arg5[%get3A_252, %get3A_253] : memref<8x128xf32, #tpu.memory_space<vmem>>, vector<8x128xf32>
    %dot_general3A_255 = arith.constant dense<0.000000e+00> : vector<512x128xf32>
    %dot_general3A_256 = tpu.matmul %get3A_3, %get3A_254, %dot_general3A_255 {dimension_numbers = #tpu.dot_dimension_numbers<[1], [0], [0], [1], [0, 0, 1, 1], [], []>, transpose_lhs_hint = false} : vector<512x8xf32>, vector<8x128xf32>, vector<512x128xf32> -> vector<512x128xf32>
    %swap3A_257 = arith.constant 0 : index
    %swap3A_258 = arith.constant 0 : index
    %swap3A_259 = arith.constant 0 : index
    %swap3A_260 = vector.load %arg9[%swap3A_257, %swap3A_258, %swap3A_259] : memref<1x512x128xf32, #tpu.memory_space<vmem>>, vector<1x512x128xf32>
    %swap3A_261 = vector.shape_cast %swap3A_260 : vector<1x512x128xf32> to vector<512x128xf32>
    %swap3A_262 = vector.shape_cast %dot_general3A_256 : vector<512x128xf32> to vector<1x512x128xf32>
    tpu.vector_store %arg9[%swap3A_257, %swap3A_258, %swap3A_259], %swap3A_262 {strides = array<i32>} : memref<1x512x128xf32, #tpu.memory_space<vmem>>, vector<1x512x128xf32>,
    %get3A_263 = arith.constant 0 : index
    %get3A_264 = arith.constant 0 : index
    %get3A_265 = arith.constant 0 : index
    %get3A_266 = vector.load %arg4[%get3A_263, %get3A_264, %get3A_265] : memref<1x512x64xf32, #tpu.memory_space<vmem>>, vector<1x512x64xf32>
    %get3A_267 = vector.shape_cast %get3A_266 : vector<1x512x64xf32> to vector<512x64xf32>
    %get3A_268 = arith.constant 0 : index
    %get3A_269 = arith.constant 0 : index
    %get3A_270 = vector.load %arg6[%get3A_268, %get3A_269] : memref<64x128xf32, #tpu.memory_space<vmem>>, vector<64x128xf32>
    %dot_general3A_271 = arith.constant dense<0.000000e+00> : vector<512x128xf32>
    %dot_general3A_272 = tpu.matmul %get3A_267, %get3A_270, %dot_general3A_271 {dimension_numbers = #tpu.dot_dimension_numbers<[1], [0], [0], [1], [0, 0, 1, 1], [], []>, transpose_lhs_hint = false} : vector<512x64xf32>, vector<64x128xf32>, vector<512x128xf32> -> vector<512x128xf32>
    %add3A_273 = arith.addf %dot_general3A_256, %dot_general3A_272 : vector<512x128xf32>
    %swap3A_274 = arith.constant 0 : index
    %swap3A_275 = arith.constant 0 : index
    %swap3A_276 = arith.constant 0 : index
    %swap3A_277 = vector.load %arg8[%swap3A_274, %swap3A_275, %swap3A_276] : memref<1x512x128xf32, #tpu.memory_space<vmem>>, vector<1x512x128xf32>
    %swap3A_278 = vector.shape_cast %swap3A_277 : vector<1x512x128xf32> to vector<512x128xf32>
    %swap3A_279 = vector.shape_cast %add3A_273 : vector<512x128xf32> to vector<1x512x128xf32>
    tpu.vector_store %arg8[%swap3A_274, %swap3A_275, %swap3A_276], %swap3A_279 {strides = array<i32>} : memref<1x512x128xf32, #tpu.memory_space<vmem>>, vector<1x512x128xf32>,
    return
  }
  func.func @transform_0(%arg0: i32, %arg1: i32) -> (i32, i32, i32) {
    %c0_i32 = arith.constant 0 : i32
    %c0_i32_0 = arith.constant 0 : i32
    return %arg0, %arg1, %c0_i32 : i32, i32, i32
  }
  func.func @transform_1(%arg0: i32, %arg1: i32) -> (i32, i32, i32) {
    %c0_i32 = arith.constant 0 : i32
    %c0_i32_0 = arith.constant 0 : i32
    %c0_i32_1 = arith.constant 0 : i32
    return %arg0, %c0_i32, %c0_i32_0 : i32, i32, i32
  }
  func.func @transform_2(%arg0: i32, %arg1: i32) -> (i32, i32, i32) {
    %c0_i32 = arith.constant 0 : i32
    %c0_i32_0 = arith.constant 0 : i32
    return %arg0, %arg1, %c0_i32 : i32, i32, i32
  }
  func.func @transform_3(%arg0: i32, %arg1: i32) -> (i32, i32) {
    %c0_i32 = arith.constant 0 : i32
    %c0_i32_0 = arith.constant 0 : i32
    %c0_i32_1 = arith.constant 0 : i32
    return %c0_i32, %c0_i32_0 : i32, i32
  }
  func.func @transform_4(%arg0: i32, %arg1: i32) -> (i32, i32) {
    %c0_i32 = arith.constant 0 : i32
    %c0_i32_0 = arith.constant 0 : i32
    %c0_i32_1 = arith.constant 0 : i32
    return %c0_i32, %c0_i32_0 : i32, i32
  }
  func.func @transform_5(%arg0: i32, %arg1: i32) -> (i32, i32, i32) {
    %c0_i32 = arith.constant 0 : i32
    %c0_i32_0 = arith.constant 0 : i32
    return %arg0, %arg1, %c0_i32 : i32, i32, i32
  }
  func.func @transform_6(%arg0: i32, %arg1: i32) -> (i32, i32, i32) {
    %c0_i32 = arith.constant 0 : i32
    %c0_i32_0 = arith.constant 0 : i32
    return %arg0, %arg1, %c0_i32 : i32, i32, i32
  }
  func.func @transform_7(%arg0: i32, %arg1: i32) -> (i32, i32, i32) {
    %c0_i32 = arith.constant 0 : i32
    %c0_i32_0 = arith.constant 0 : i32
    return %arg0, %arg1, %c0_i32 : i32, i32, i32
  }
}

module attributes {stable_mosaic.version = 14 : i64} {
  func.func @_k3_body(%arg0: i32, %arg1: memref<1024x128xf32, #tpu.memory_space<vmem>>, %arg2: memref<32x128xf32, #tpu.memory_space<vmem>>, %arg3: memref<1x128xf32, #tpu.memory_space<vmem>>, %arg4: memref<1x128xf32, #tpu.memory_space<vmem>>) attributes {dimension_semantics = [#tpu.dimension_semantics<arbitrary>], iteration_bounds = array<i64: 512>, scalar_prefetch = 0 : i64, scratch_operands = 0 : i64, tpu.core_type = #tpu.core_type<tc>, window_params = [{transform_indices = @transform_0, window_bounds = array<i64: 1024, 128>}, {transform_indices = @transform_1, window_bounds = array<i64: 32, 128>}, {pipeline_mode = #tpu.pipeline_mode<synchronous>, transform_indices = @transform_2, window_bounds = array<i64: 1, 128>}, {pipeline_mode = #tpu.pipeline_mode<synchronous>, transform_indices = @transform_3, window_bounds = array<i64: 1, 128>}]} {
    %get3A = arith.constant 0 : index
    %get3A_0 = arith.constant 0 : index
    %get3A_1 = vector.load %arg2[%get3A, %get3A_0] : memref<32x128xf32, #tpu.memory_space<vmem>>, vector<32x128xf32>
    %broadcast_in_dim3A = vector.shape_cast %get3A_1 : vector<32x128xf32> to vector<32x1x128xf32>
    %broadcast_in_dim3A_2 = vector.shape_cast %broadcast_in_dim3A : vector<32x1x128xf32> to vector<32x1x128xf32>
    %broadcast_in_dim3A_3 = vector.broadcast %broadcast_in_dim3A_2 : vector<32x1x128xf32> to vector<32x32x128xf32>
    %reshape3A = vector.shape_cast %broadcast_in_dim3A_3 : vector<32x32x128xf32> to vector<1024x128xf32>
    %get3A_4 = arith.constant 0 : index
    %get3A_5 = arith.constant 0 : index
    %get3A_6 = vector.load %arg1[%get3A_4, %get3A_5] : memref<1024x128xf32, #tpu.memory_space<vmem>>, vector<1024x128xf32>
    %sub3A = arith.subf %get3A_6, %reshape3A : vector<1024x128xf32>
    %reduce_sum3A = arith.constant dense<0.000000e+00> : vector<128xf32>
    %reduce_sum3A_7 = vector.multi_reduction <add>, %sub3A, %reduce_sum3A [0] : vector<1024x128xf32> to vector<128xf32>
    %broadcast_in_dim3A_8 = vector.shape_cast %reduce_sum3A_7 : vector<128xf32> to vector<1x128xf32>
    %mul3A = arith.mulf %sub3A, %sub3A : vector<1024x128xf32>
    %reduce_sum3A_9 = arith.constant dense<0.000000e+00> : vector<128xf32>
    %reduce_sum3A_10 = vector.multi_reduction <add>, %mul3A, %reduce_sum3A_9 [0] : vector<1024x128xf32> to vector<128xf32>
    %broadcast_in_dim3A_11 = vector.shape_cast %reduce_sum3A_10 : vector<128xf32> to vector<1x128xf32>
    %eq3A = arith.constant 0 : i32
    %eq3A_12 = arith.cmpi eq, %arg0, %eq3A : i32
    %convert_element_type3A = arith.extui %eq3A_12 : i1 to i32
    %cond3A = arith.constant 0 : i32
    %cond3A_13 = arith.cmpi ne, %convert_element_type3A, %cond3A : i32
    scf.if %cond3A_13 {
      %swap3A = arith.constant 0 : index
      %swap3A_18 = arith.constant 0 : index
      %swap3A_19 = vector.load %arg3[%swap3A, %swap3A_18] : memref<1x128xf32, #tpu.memory_space<vmem>>, vector<1x128xf32>
      tpu.vector_store %arg3[%swap3A, %swap3A_18], %broadcast_in_dim3A_8 {strides = array<i32>} : memref<1x128xf32, #tpu.memory_space<vmem>>, vector<1x128xf32>,
      %swap3A_20 = arith.constant 0 : index
      %swap3A_21 = arith.constant 0 : index
      %swap3A_22 = vector.load %arg4[%swap3A_20, %swap3A_21] : memref<1x128xf32, #tpu.memory_space<vmem>>, vector<1x128xf32>
      tpu.vector_store %arg4[%swap3A_20, %swap3A_21], %broadcast_in_dim3A_11 {strides = array<i32>} : memref<1x128xf32, #tpu.memory_space<vmem>>, vector<1x128xf32>,
    } else {
    }
    %ne3A = arith.constant 0 : i32
    %ne3A_14 = arith.cmpi ne, %arg0, %ne3A : i32
    %convert_element_type3A_15 = arith.extui %ne3A_14 : i1 to i32
    %cond3A_16 = arith.constant 0 : i32
    %cond3A_17 = arith.cmpi ne, %convert_element_type3A_15, %cond3A_16 : i32
    scf.if %cond3A_17 {
      %get3A_18 = arith.constant 0 : index
      %get3A_19 = arith.constant 0 : index
      %get3A_20 = vector.load %arg3[%get3A_18, %get3A_19] : memref<1x128xf32, #tpu.memory_space<vmem>>, vector<1x128xf32>
      %add3A = arith.addf %get3A_20, %broadcast_in_dim3A_8 : vector<1x128xf32>
      %swap3A = arith.constant 0 : index
      %swap3A_21 = arith.constant 0 : index
      %swap3A_22 = vector.load %arg3[%swap3A, %swap3A_21] : memref<1x128xf32, #tpu.memory_space<vmem>>, vector<1x128xf32>
      tpu.vector_store %arg3[%swap3A, %swap3A_21], %add3A {strides = array<i32>} : memref<1x128xf32, #tpu.memory_space<vmem>>, vector<1x128xf32>,
      %get3A_23 = arith.constant 0 : index
      %get3A_24 = arith.constant 0 : index
      %get3A_25 = vector.load %arg4[%get3A_23, %get3A_24] : memref<1x128xf32, #tpu.memory_space<vmem>>, vector<1x128xf32>
      %add3A_26 = arith.addf %get3A_25, %broadcast_in_dim3A_11 : vector<1x128xf32>
      %swap3A_27 = arith.constant 0 : index
      %swap3A_28 = arith.constant 0 : index
      %swap3A_29 = vector.load %arg4[%swap3A_27, %swap3A_28] : memref<1x128xf32, #tpu.memory_space<vmem>>, vector<1x128xf32>
      tpu.vector_store %arg4[%swap3A_27, %swap3A_28], %add3A_26 {strides = array<i32>} : memref<1x128xf32, #tpu.memory_space<vmem>>, vector<1x128xf32>,
    } else {
    }
    return
  }
  func.func @transform_0(%arg0: i32) -> (i32, i32) {
    %c0_i32 = arith.constant 0 : i32
    %c0_i32_0 = arith.constant 0 : i32
    return %arg0, %c0_i32 : i32, i32
  }
  func.func @transform_1(%arg0: i32) -> (i32, i32) {
    %c0_i32 = arith.constant 0 : i32
    %c0_i32_0 = arith.constant 0 : i32
    return %arg0, %c0_i32 : i32, i32
  }
  func.func @transform_2(%arg0: i32) -> (i32, i32) {
    %c0_i32 = arith.constant 0 : i32
    %c0_i32_0 = arith.constant 0 : i32
    %c0_i32_1 = arith.constant 0 : i32
    return %c0_i32, %c0_i32_0 : i32, i32
  }
  func.func @transform_3(%arg0: i32) -> (i32, i32) {
    %c0_i32 = arith.constant 0 : i32
    %c0_i32_0 = arith.constant 0 : i32
    %c0_i32_1 = arith.constant 0 : i32
    return %c0_i32, %c0_i32_0 : i32, i32
  }
}

module attributes {stable_mosaic.version = 14 : i64} {
  func.func @_k4_body(%arg0: i32, %arg1: memref<1024x128xf32, #tpu.memory_space<vmem>>, %arg2: memref<32x128xf32, #tpu.memory_space<vmem>>, %arg3: memref<1x128xf32, #tpu.memory_space<vmem>>, %arg4: memref<1x128xf32, #tpu.memory_space<vmem>>, %arg5: memref<128x128xbf16, #tpu.memory_space<vmem>>, %arg6: memref<1024x128xbf16, #tpu.memory_space<vmem>>, %arg7: memref<1x128xf32, #tpu.memory_space<vmem>>, %arg8: memref<1x128xf32, #tpu.memory_space<vmem>>) attributes {dimension_semantics = [#tpu.dimension_semantics<arbitrary>], iteration_bounds = array<i64: 512>, scalar_prefetch = 0 : i64, scratch_operands = 0 : i64, tpu.core_type = #tpu.core_type<tc>, window_params = [{transform_indices = @transform_0, window_bounds = array<i64: 1024, 128>}, {transform_indices = @transform_1, window_bounds = array<i64: 32, 128>}, {pipeline_mode = #tpu.pipeline_mode<synchronous>, transform_indices = @transform_2, window_bounds = array<i64: 1, 128>}, {pipeline_mode = #tpu.pipeline_mode<synchronous>, transform_indices = @transform_3, window_bounds = array<i64: 1, 128>}, {pipeline_mode = #tpu.pipeline_mode<synchronous>, transform_indices = @transform_4, window_bounds = array<i64: 128, 128>}, {transform_indices = @transform_5, window_bounds = array<i64: 1024, 128>}, {pipeline_mode = #tpu.pipeline_mode<synchronous>, transform_indices = @transform_6, window_bounds = array<i64: 1, 128>}, {pipeline_mode = #tpu.pipeline_mode<synchronous>, transform_indices = @transform_7, window_bounds = array<i64: 1, 128>}]} {
    %get3A = arith.constant 0 : index
    %get3A_0 = arith.constant 0 : index
    %get3A_1 = vector.load %arg2[%get3A, %get3A_0] : memref<32x128xf32, #tpu.memory_space<vmem>>, vector<32x128xf32>
    %broadcast_in_dim3A = vector.shape_cast %get3A_1 : vector<32x128xf32> to vector<32x1x128xf32>
    %broadcast_in_dim3A_2 = vector.shape_cast %broadcast_in_dim3A : vector<32x1x128xf32> to vector<32x1x128xf32>
    %broadcast_in_dim3A_3 = vector.broadcast %broadcast_in_dim3A_2 : vector<32x1x128xf32> to vector<32x32x128xf32>
    %reshape3A = vector.shape_cast %broadcast_in_dim3A_3 : vector<32x32x128xf32> to vector<1024x128xf32>
    %get3A_4 = arith.constant 0 : index
    %get3A_5 = arith.constant 0 : index
    %get3A_6 = vector.load %arg1[%get3A_4, %get3A_5] : memref<1024x128xf32, #tpu.memory_space<vmem>>, vector<1024x128xf32>
    %sub3A = arith.subf %get3A_6, %reshape3A : vector<1024x128xf32>
    %get3A_7 = arith.constant 0 : index
    %get3A_8 = arith.constant 0 : index
    %get3A_9 = vector.load %arg3[%get3A_7, %get3A_8] : memref<1x128xf32, #tpu.memory_space<vmem>>, vector<1x128xf32>
    %mul3A = vector.broadcast %get3A_9 : vector<1x128xf32> to vector<1024x128xf32>
    %mul3A_10 = arith.mulf %sub3A, %mul3A : vector<1024x128xf32>
    %get3A_11 = arith.constant 0 : index
    %get3A_12 = arith.constant 0 : index
    %get3A_13 = vector.load %arg4[%get3A_11, %get3A_12] : memref<1x128xf32, #tpu.memory_space<vmem>>, vector<1x128xf32>
    %add3A = vector.broadcast %get3A_13 : vector<1x128xf32> to vector<1024x128xf32>
    %add3A_14 = arith.addf %mul3A_10, %add3A : vector<1024x128xf32>
    %max3A = arith.constant 0.000000e+00 : f32
    %max3A_15 = vector.broadcast %max3A : f32 to vector<1024x128xf32>
    %max3A_16 = arith.maximumf %add3A_14, %max3A_15 : vector<1024x128xf32>
    %convert_element_type3A = arith.truncf %max3A_16 : vector<1024x128xf32> to vector<1024x128xbf16>
    %get3A_17 = arith.constant 0 : index
    %get3A_18 = arith.constant 0 : index
    %get3A_19 = vector.load %arg5[%get3A_17, %get3A_18] : memref<128x128xbf16, #tpu.memory_space<vmem>>, vector<128x128xbf16>
    %dot_general3A = arith.constant dense<0.000000e+00> : vector<1024x128xf32>
    %dot_general3A_20 = tpu.matmul %convert_element_type3A, %get3A_19, %dot_general3A {dimension_numbers = #tpu.dot_dimension_numbers<[1], [0], [0], [1], [0, 0, 1, 1], [], []>, transpose_lhs_hint = false} : vector<1024x128xbf16>, vector<128x128xbf16>, vector<1024x128xf32> -> vector<1024x128xf32>
    %convert_element_type3A_21 = arith.truncf %dot_general3A_20 : vector<1024x128xf32> to vector<1024x128xbf16>
    %swap3A = arith.constant 0 : index
    %swap3A_22 = arith.constant 0 : index
    %swap3A_23 = vector.load %arg6[%swap3A, %swap3A_22] : memref<1024x128xbf16, #tpu.memory_space<vmem>>, vector<1024x128xbf16>
    tpu.vector_store %arg6[%swap3A, %swap3A_22], %convert_element_type3A_21 {strides = array<i32>} : memref<1024x128xbf16, #tpu.memory_space<vmem>>, vector<1024x128xbf16>,
    %reduce_sum3A = arith.constant dense<0.000000e+00> : vector<128xf32>
    %reduce_sum3A_24 = vector.multi_reduction <add>, %dot_general3A_20, %reduce_sum3A [0] : vector<1024x128xf32> to vector<128xf32>
    %broadcast_in_dim3A_25 = vector.shape_cast %reduce_sum3A_24 : vector<128xf32> to vector<1x128xf32>
    %mul3A_26 = arith.mulf %dot_general3A_20, %dot_general3A_20 : vector<1024x128xf32>
    %reduce_sum3A_27 = arith.constant dense<0.000000e+00> : vector<128xf32>
    %reduce_sum3A_28 = vector.multi_reduction <add>, %mul3A_26, %reduce_sum3A_27 [0] : vector<1024x128xf32> to vector<128xf32>
    %broadcast_in_dim3A_29 = vector.shape_cast %reduce_sum3A_28 : vector<128xf32> to vector<1x128xf32>
    %eq3A = arith.constant 0 : i32
    %eq3A_30 = arith.cmpi eq, %arg0, %eq3A : i32
    %convert_element_type3A_31 = arith.extui %eq3A_30 : i1 to i32
    %cond3A = arith.constant 0 : i32
    %cond3A_32 = arith.cmpi ne, %convert_element_type3A_31, %cond3A : i32
    scf.if %cond3A_32 {
      %swap3A_37 = arith.constant 0 : index
      %swap3A_38 = arith.constant 0 : index
      %swap3A_39 = vector.load %arg7[%swap3A_37, %swap3A_38] : memref<1x128xf32, #tpu.memory_space<vmem>>, vector<1x128xf32>
      tpu.vector_store %arg7[%swap3A_37, %swap3A_38], %broadcast_in_dim3A_25 {strides = array<i32>} : memref<1x128xf32, #tpu.memory_space<vmem>>, vector<1x128xf32>,
      %swap3A_40 = arith.constant 0 : index
      %swap3A_41 = arith.constant 0 : index
      %swap3A_42 = vector.load %arg8[%swap3A_40, %swap3A_41] : memref<1x128xf32, #tpu.memory_space<vmem>>, vector<1x128xf32>
      tpu.vector_store %arg8[%swap3A_40, %swap3A_41], %broadcast_in_dim3A_29 {strides = array<i32>} : memref<1x128xf32, #tpu.memory_space<vmem>>, vector<1x128xf32>,
    } else {
    }
    %ne3A = arith.constant 0 : i32
    %ne3A_33 = arith.cmpi ne, %arg0, %ne3A : i32
    %convert_element_type3A_34 = arith.extui %ne3A_33 : i1 to i32
    %cond3A_35 = arith.constant 0 : i32
    %cond3A_36 = arith.cmpi ne, %convert_element_type3A_34, %cond3A_35 : i32
    scf.if %cond3A_36 {
      %get3A_37 = arith.constant 0 : index
      %get3A_38 = arith.constant 0 : index
      %get3A_39 = vector.load %arg7[%get3A_37, %get3A_38] : memref<1x128xf32, #tpu.memory_space<vmem>>, vector<1x128xf32>
      %add3A_40 = arith.addf %get3A_39, %broadcast_in_dim3A_25 : vector<1x128xf32>
      %swap3A_41 = arith.constant 0 : index
      %swap3A_42 = arith.constant 0 : index
      %swap3A_43 = vector.load %arg7[%swap3A_41, %swap3A_42] : memref<1x128xf32, #tpu.memory_space<vmem>>, vector<1x128xf32>
      tpu.vector_store %arg7[%swap3A_41, %swap3A_42], %add3A_40 {strides = array<i32>} : memref<1x128xf32, #tpu.memory_space<vmem>>, vector<1x128xf32>,
      %get3A_44 = arith.constant 0 : index
      %get3A_45 = arith.constant 0 : index
      %get3A_46 = vector.load %arg8[%get3A_44, %get3A_45] : memref<1x128xf32, #tpu.memory_space<vmem>>, vector<1x128xf32>
      %add3A_47 = arith.addf %get3A_46, %broadcast_in_dim3A_29 : vector<1x128xf32>
      %swap3A_48 = arith.constant 0 : index
      %swap3A_49 = arith.constant 0 : index
      %swap3A_50 = vector.load %arg8[%swap3A_48, %swap3A_49] : memref<1x128xf32, #tpu.memory_space<vmem>>, vector<1x128xf32>
      tpu.vector_store %arg8[%swap3A_48, %swap3A_49], %add3A_47 {strides = array<i32>} : memref<1x128xf32, #tpu.memory_space<vmem>>, vector<1x128xf32>,
    } else {
    }
    return
  }
  func.func @transform_0(%arg0: i32) -> (i32, i32) {
    %c0_i32 = arith.constant 0 : i32
    %c0_i32_0 = arith.constant 0 : i32
    return %arg0, %c0_i32 : i32, i32
  }
  func.func @transform_1(%arg0: i32) -> (i32, i32) {
    %c0_i32 = arith.constant 0 : i32
    %c0_i32_0 = arith.constant 0 : i32
    return %arg0, %c0_i32 : i32, i32
  }
  func.func @transform_2(%arg0: i32) -> (i32, i32) {
    %c0_i32 = arith.constant 0 : i32
    %c0_i32_0 = arith.constant 0 : i32
    %c0_i32_1 = arith.constant 0 : i32
    return %c0_i32, %c0_i32_0 : i32, i32
  }
  func.func @transform_3(%arg0: i32) -> (i32, i32) {
    %c0_i32 = arith.constant 0 : i32
    %c0_i32_0 = arith.constant 0 : i32
    %c0_i32_1 = arith.constant 0 : i32
    return %c0_i32, %c0_i32_0 : i32, i32
  }
  func.func @transform_4(%arg0: i32) -> (i32, i32) {
    %c0_i32 = arith.constant 0 : i32
    %c0_i32_0 = arith.constant 0 : i32
    %c0_i32_1 = arith.constant 0 : i32
    return %c0_i32, %c0_i32_0 : i32, i32
  }
  func.func @transform_5(%arg0: i32) -> (i32, i32) {
    %c0_i32 = arith.constant 0 : i32
    %c0_i32_0 = arith.constant 0 : i32
    return %arg0, %c0_i32 : i32, i32
  }
  func.func @transform_6(%arg0: i32) -> (i32, i32) {
    %c0_i32 = arith.constant 0 : i32
    %c0_i32_0 = arith.constant 0 : i32
    %c0_i32_1 = arith.constant 0 : i32
    return %c0_i32, %c0_i32_0 : i32, i32
  }
  func.func @transform_7(%arg0: i32) -> (i32, i32) {
    %c0_i32 = arith.constant 0 : i32
    %c0_i32_0 = arith.constant 0 : i32
    %c0_i32_1 = arith.constant 0 : i32
    return %c0_i32, %c0_i32_0 : i32, i32
  }
}

module attributes {stable_mosaic.version = 14 : i64} {
  func.func @_k5_body(%arg0: i32, %arg1: memref<1024x128xbf16, #tpu.memory_space<vmem>>, %arg2: memref<1x128xf32, #tpu.memory_space<vmem>>, %arg3: memref<1x128xf32, #tpu.memory_space<vmem>>, %arg4: memref<128x256xbf16, #tpu.memory_space<vmem>>, %arg5: memref<32x256xf32, #tpu.memory_space<vmem>>, %arg6: memref<1x256xf32, #tpu.memory_space<vmem>>, %arg7: memref<1x256xf32, #tpu.memory_space<vmem>>) attributes {dimension_semantics = [#tpu.dimension_semantics<arbitrary>], iteration_bounds = array<i64: 512>, scalar_prefetch = 0 : i64, scratch_operands = 0 : i64, tpu.core_type = #tpu.core_type<tc>, window_params = [{transform_indices = @transform_0, window_bounds = array<i64: 1024, 128>}, {pipeline_mode = #tpu.pipeline_mode<synchronous>, transform_indices = @transform_1, window_bounds = array<i64: 1, 128>}, {pipeline_mode = #tpu.pipeline_mode<synchronous>, transform_indices = @transform_2, window_bounds = array<i64: 1, 128>}, {pipeline_mode = #tpu.pipeline_mode<synchronous>, transform_indices = @transform_3, window_bounds = array<i64: 128, 256>}, {transform_indices = @transform_4, window_bounds = array<i64: 32, 256>}, {pipeline_mode = #tpu.pipeline_mode<synchronous>, transform_indices = @transform_5, window_bounds = array<i64: 1, 256>}, {pipeline_mode = #tpu.pipeline_mode<synchronous>, transform_indices = @transform_6, window_bounds = array<i64: 1, 256>}]} {
    %get3A = arith.constant 0 : index
    %get3A_0 = arith.constant 0 : index
    %get3A_1 = vector.load %arg1[%get3A, %get3A_0] : memref<1024x128xbf16, #tpu.memory_space<vmem>>, vector<1024x128xbf16>
    %convert_element_type3A = arith.extf %get3A_1 : vector<1024x128xbf16> to vector<1024x128xf32>
    %get3A_2 = arith.constant 0 : index
    %get3A_3 = arith.constant 0 : index
    %get3A_4 = vector.load %arg2[%get3A_2, %get3A_3] : memref<1x128xf32, #tpu.memory_space<vmem>>, vector<1x128xf32>
    %mul3A = vector.broadcast %get3A_4 : vector<1x128xf32> to vector<1024x128xf32>
    %mul3A_5 = arith.mulf %convert_element_type3A, %mul3A : vector<1024x128xf32>
    %get3A_6 = arith.constant 0 : index
    %get3A_7 = arith.constant 0 : index
    %get3A_8 = vector.load %arg3[%get3A_6, %get3A_7] : memref<1x128xf32, #tpu.memory_space<vmem>>, vector<1x128xf32>
    %add3A = vector.broadcast %get3A_8 : vector<1x128xf32> to vector<1024x128xf32>
    %add3A_9 = arith.addf %mul3A_5, %add3A : vector<1024x128xf32>
    %max3A = arith.constant 0.000000e+00 : f32
    %max3A_10 = vector.broadcast %max3A : f32 to vector<1024x128xf32>
    %max3A_11 = arith.maximumf %add3A_9, %max3A_10 : vector<1024x128xf32>
    %convert_element_type3A_12 = arith.truncf %max3A_11 : vector<1024x128xf32> to vector<1024x128xbf16>
    %get3A_13 = arith.constant 0 : index
    %get3A_14 = arith.constant 0 : index
    %get3A_15 = vector.load %arg4[%get3A_13, %get3A_14] : memref<128x256xbf16, #tpu.memory_space<vmem>>, vector<128x256xbf16>
    %dot_general3A = arith.constant dense<0.000000e+00> : vector<1024x256xf32>
    %dot_general3A_16 = tpu.matmul %convert_element_type3A_12, %get3A_15, %dot_general3A {dimension_numbers = #tpu.dot_dimension_numbers<[1], [0], [0], [1], [0, 0, 1, 1], [], []>, transpose_lhs_hint = false} : vector<1024x128xbf16>, vector<128x256xbf16>, vector<1024x256xf32> -> vector<1024x256xf32>
    %reduce_sum3A = arith.constant dense<0.000000e+00> : vector<256xf32>
    %reduce_sum3A_17 = vector.multi_reduction <add>, %dot_general3A_16, %reduce_sum3A [0] : vector<1024x256xf32> to vector<256xf32>
    %broadcast_in_dim3A = vector.shape_cast %reduce_sum3A_17 : vector<256xf32> to vector<1x256xf32>
    %mul3A_18 = arith.mulf %dot_general3A_16, %dot_general3A_16 : vector<1024x256xf32>
    %reduce_sum3A_19 = arith.constant dense<0.000000e+00> : vector<256xf32>
    %reduce_sum3A_20 = vector.multi_reduction <add>, %mul3A_18, %reduce_sum3A_19 [0] : vector<1024x256xf32> to vector<256xf32>
    %broadcast_in_dim3A_21 = vector.shape_cast %reduce_sum3A_20 : vector<256xf32> to vector<1x256xf32>
    %reshape3A = vector.shape_cast %dot_general3A_16 : vector<1024x256xf32> to vector<32x32x256xf32>
    %reduce_max3A = arith.constant dense<0xFF800000> : vector<32x256xf32>
    %reduce_max3A_22 = vector.multi_reduction <maximumf>, %reshape3A, %reduce_max3A [1] : vector<32x32x256xf32> to vector<32x256xf32>
    %swap3A = arith.constant 0 : index
    %swap3A_23 = arith.constant 0 : index
    %swap3A_24 = vector.load %arg5[%swap3A, %swap3A_23] : memref<32x256xf32, #tpu.memory_space<vmem>>, vector<32x256xf32>
    tpu.vector_store %arg5[%swap3A, %swap3A_23], %reduce_max3A_22 {strides = array<i32>} : memref<32x256xf32, #tpu.memory_space<vmem>>, vector<32x256xf32>,
    %eq3A = arith.constant 0 : i32
    %eq3A_25 = arith.cmpi eq, %arg0, %eq3A : i32
    %convert_element_type3A_26 = arith.extui %eq3A_25 : i1 to i32
    %cond3A = arith.constant 0 : i32
    %cond3A_27 = arith.cmpi ne, %convert_element_type3A_26, %cond3A : i32
    scf.if %cond3A_27 {
      %swap3A_32 = arith.constant 0 : index
      %swap3A_33 = arith.constant 0 : index
      %swap3A_34 = vector.load %arg6[%swap3A_32, %swap3A_33] : memref<1x256xf32, #tpu.memory_space<vmem>>, vector<1x256xf32>
      tpu.vector_store %arg6[%swap3A_32, %swap3A_33], %broadcast_in_dim3A {strides = array<i32>} : memref<1x256xf32, #tpu.memory_space<vmem>>, vector<1x256xf32>,
      %swap3A_35 = arith.constant 0 : index
      %swap3A_36 = arith.constant 0 : index
      %swap3A_37 = vector.load %arg7[%swap3A_35, %swap3A_36] : memref<1x256xf32, #tpu.memory_space<vmem>>, vector<1x256xf32>
      tpu.vector_store %arg7[%swap3A_35, %swap3A_36], %broadcast_in_dim3A_21 {strides = array<i32>} : memref<1x256xf32, #tpu.memory_space<vmem>>, vector<1x256xf32>,
    } else {
    }
    %ne3A = arith.constant 0 : i32
    %ne3A_28 = arith.cmpi ne, %arg0, %ne3A : i32
    %convert_element_type3A_29 = arith.extui %ne3A_28 : i1 to i32
    %cond3A_30 = arith.constant 0 : i32
    %cond3A_31 = arith.cmpi ne, %convert_element_type3A_29, %cond3A_30 : i32
    scf.if %cond3A_31 {
      %get3A_32 = arith.constant 0 : index
      %get3A_33 = arith.constant 0 : index
      %get3A_34 = vector.load %arg6[%get3A_32, %get3A_33] : memref<1x256xf32, #tpu.memory_space<vmem>>, vector<1x256xf32>
      %add3A_35 = arith.addf %get3A_34, %broadcast_in_dim3A : vector<1x256xf32>
      %swap3A_36 = arith.constant 0 : index
      %swap3A_37 = arith.constant 0 : index
      %swap3A_38 = vector.load %arg6[%swap3A_36, %swap3A_37] : memref<1x256xf32, #tpu.memory_space<vmem>>, vector<1x256xf32>
      tpu.vector_store %arg6[%swap3A_36, %swap3A_37], %add3A_35 {strides = array<i32>} : memref<1x256xf32, #tpu.memory_space<vmem>>, vector<1x256xf32>,
      %get3A_39 = arith.constant 0 : index
      %get3A_40 = arith.constant 0 : index
      %get3A_41 = vector.load %arg7[%get3A_39, %get3A_40] : memref<1x256xf32, #tpu.memory_space<vmem>>, vector<1x256xf32>
      %add3A_42 = arith.addf %get3A_41, %broadcast_in_dim3A_21 : vector<1x256xf32>
      %swap3A_43 = arith.constant 0 : index
      %swap3A_44 = arith.constant 0 : index
      %swap3A_45 = vector.load %arg7[%swap3A_43, %swap3A_44] : memref<1x256xf32, #tpu.memory_space<vmem>>, vector<1x256xf32>
      tpu.vector_store %arg7[%swap3A_43, %swap3A_44], %add3A_42 {strides = array<i32>} : memref<1x256xf32, #tpu.memory_space<vmem>>, vector<1x256xf32>,
    } else {
    }
    return
  }
  func.func @transform_0(%arg0: i32) -> (i32, i32) {
    %c0_i32 = arith.constant 0 : i32
    %c0_i32_0 = arith.constant 0 : i32
    return %arg0, %c0_i32 : i32, i32
  }
  func.func @transform_1(%arg0: i32) -> (i32, i32) {
    %c0_i32 = arith.constant 0 : i32
    %c0_i32_0 = arith.constant 0 : i32
    %c0_i32_1 = arith.constant 0 : i32
    return %c0_i32, %c0_i32_0 : i32, i32
  }
  func.func @transform_2(%arg0: i32) -> (i32, i32) {
    %c0_i32 = arith.constant 0 : i32
    %c0_i32_0 = arith.constant 0 : i32
    %c0_i32_1 = arith.constant 0 : i32
    return %c0_i32, %c0_i32_0 : i32, i32
  }
  func.func @transform_3(%arg0: i32) -> (i32, i32) {
    %c0_i32 = arith.constant 0 : i32
    %c0_i32_0 = arith.constant 0 : i32
    %c0_i32_1 = arith.constant 0 : i32
    return %c0_i32, %c0_i32_0 : i32, i32
  }
  func.func @transform_4(%arg0: i32) -> (i32, i32) {
    %c0_i32 = arith.constant 0 : i32
    %c0_i32_0 = arith.constant 0 : i32
    return %arg0, %c0_i32 : i32, i32
  }
  func.func @transform_5(%arg0: i32) -> (i32, i32) {
    %c0_i32 = arith.constant 0 : i32
    %c0_i32_0 = arith.constant 0 : i32
    %c0_i32_1 = arith.constant 0 : i32
    return %c0_i32, %c0_i32_0 : i32, i32
  }
  func.func @transform_6(%arg0: i32) -> (i32, i32) {
    %c0_i32 = arith.constant 0 : i32
    %c0_i32_0 = arith.constant 0 : i32
    %c0_i32_1 = arith.constant 0 : i32
    return %c0_i32, %c0_i32_0 : i32, i32
  }
}

module attributes {stable_mosaic.version = 14 : i64} {
  func.func @_k6_body(%arg0: i32, %arg1: memref<2048x256xf32, #tpu.memory_space<vmem>>, %arg2: memref<1x256xf32, #tpu.memory_space<vmem>>, %arg3: memref<1x256xf32, #tpu.memory_space<vmem>>, %arg4: memref<2048x256xf32, #tpu.memory_space<vmem>>) attributes {dimension_semantics = [#tpu.dimension_semantics<arbitrary>], iteration_bounds = array<i64: 8>, scalar_prefetch = 0 : i64, scratch_operands = 0 : i64, tpu.core_type = #tpu.core_type<tc>, window_params = [{transform_indices = @transform_0, window_bounds = array<i64: 2048, 256>}, {pipeline_mode = #tpu.pipeline_mode<synchronous>, transform_indices = @transform_1, window_bounds = array<i64: 1, 256>}, {pipeline_mode = #tpu.pipeline_mode<synchronous>, transform_indices = @transform_2, window_bounds = array<i64: 1, 256>}, {transform_indices = @transform_3, window_bounds = array<i64: 2048, 256>}]} {
    %get3A = arith.constant 0 : index
    %get3A_0 = arith.constant 0 : index
    %get3A_1 = vector.load %arg1[%get3A, %get3A_0] : memref<2048x256xf32, #tpu.memory_space<vmem>>, vector<2048x256xf32>
    %get3A_2 = arith.constant 0 : index
    %get3A_3 = arith.constant 0 : index
    %get3A_4 = vector.load %arg2[%get3A_2, %get3A_3] : memref<1x256xf32, #tpu.memory_space<vmem>>, vector<1x256xf32>
    %mul3A = vector.broadcast %get3A_4 : vector<1x256xf32> to vector<2048x256xf32>
    %mul3A_5 = arith.mulf %get3A_1, %mul3A : vector<2048x256xf32>
    %get3A_6 = arith.constant 0 : index
    %get3A_7 = arith.constant 0 : index
    %get3A_8 = vector.load %arg3[%get3A_6, %get3A_7] : memref<1x256xf32, #tpu.memory_space<vmem>>, vector<1x256xf32>
    %add3A = vector.broadcast %get3A_8 : vector<1x256xf32> to vector<2048x256xf32>
    %add3A_9 = arith.addf %mul3A_5, %add3A : vector<2048x256xf32>
    %max3A = arith.constant 0.000000e+00 : f32
    %max3A_10 = vector.broadcast %max3A : f32 to vector<2048x256xf32>
    %max3A_11 = arith.maximumf %add3A_9, %max3A_10 : vector<2048x256xf32>
    %swap3A = arith.constant 0 : index
    %swap3A_12 = arith.constant 0 : index
    %swap3A_13 = vector.load %arg4[%swap3A, %swap3A_12] : memref<2048x256xf32, #tpu.memory_space<vmem>>, vector<2048x256xf32>
    tpu.vector_store %arg4[%swap3A, %swap3A_12], %max3A_11 {strides = array<i32>} : memref<2048x256xf32, #tpu.memory_space<vmem>>, vector<2048x256xf32>,
    return
  }
  func.func @transform_0(%arg0: i32) -> (i32, i32) {
    %c0_i32 = arith.constant 0 : i32
    %c0_i32_0 = arith.constant 0 : i32
    return %arg0, %c0_i32 : i32, i32
  }
  func.func @transform_1(%arg0: i32) -> (i32, i32) {
    %c0_i32 = arith.constant 0 : i32
    %c0_i32_0 = arith.constant 0 : i32
    %c0_i32_1 = arith.constant 0 : i32
    return %c0_i32, %c0_i32_0 : i32, i32
  }
  func.func @transform_2(%arg0: i32) -> (i32, i32) {
    %c0_i32 = arith.constant 0 : i32
    %c0_i32_0 = arith.constant 0 : i32
    %c0_i32_1 = arith.constant 0 : i32
    return %c0_i32, %c0_i32_0 : i32, i32
  }
  func.func @transform_3(%arg0: i32) -> (i32, i32) {
    %c0_i32 = arith.constant 0 : i32
    %c0_i32_0 = arith.constant 0 : i32
    return %arg0, %c0_i32 : i32, i32
  }
}

</mosaic_0001>

<sc_bundles>
// kernel: kernel.8.cloned.1.call-start
scs
__scs_entry_jumppad:
0x0: {  	(pc) =	sbr.rel $0x88, $3  }
0x1: {  	(tag) =	ssettag $0x0;
	lr =	simm.s32 $0x1  }
0x2: {  	[smem:$0x3F9C] =	sst lr;
	_ =	strace $0xD0000000  }
0x3: {  	_ = 	snop  }
0x4: {  	_ = 	snop  }
0x5: {  	_ = 	snop  }
0x6: {  	_ = 	snop  }
0x7: {  	_ = 	snop  }
__scs_overlays_trampoline_lowered:
0x8: {  	[smem:$0x3FAB] =	sst s0  }
0x9: {  	[smem:$0x3FAC] =	sst s1  }
0xa: {  	[smem:$0x3FAD] =	sst s2  }
0xb: {  	[smem:$0x3FAE] =	sst s3  }
0xc: {  	[smem:$0x3FAF] =	sst s4  }
0xd: {  	[smem:$0x3FB0] =	sst s5  }
0xe: {  	[smem:$0x3FB1] =	sst s6  }
0xf: {  	[smem:$0x3FB2] =	sst s7  }
0x10: {  	[smem:$0x3FB3] =	sst s8  }
0x11: {  	[smem:$0x3FB4] =	sst s9;
	s0 =	simm.s32 @!p0 $0x0  }
0x12: {  	s1 =	sld [smem:$0x3F9A];
	s0 =	simm.s32 @p0 $0x1  }
0x13: {  	[smem:$0x3FB5] =	sst s0;
	s0 =	simm.s32 @!p1 $0x0  }
0x14: {  	s2 =	sld [smem:$0x3F99];
	s0 =	simm.s32 @p1 $0x1  }
0x15: {  	[smem:$0x3FB6] =	sst s0;
	s0 =	simm.s32 @!p2 $0x0  }
0x16: {  	s3 =	sld [smem:$0x3FDB];
	s0 =	simm.s32 @p2 $0x1  }
0x17: {  	s4 =	simm.s32 $0x1BF5;
	[smem:$0x3FB8] =	sst s0  }
0x18: {  	s0 =	sld [smem:$0x3F9B];
	_ =	swait.ge [sflag:s4], $0x0  }
0x19: {  	s7 =	sld [smem:$0x3F9C]  }
0x1a: {  	s8 =	sadd.s32 $0xFFFFE003, lr  }
0x1b: {  	s9 =	sadd.s32 $0xFFFFFEF7, lr;
	s5 =	simm.s32 $0xFFFFFFFF;
	p2 =	slt.u32 s8, $0xFFFFF086  }
0x1c: {  	p1 =	slt.u32 s9, $0xF7A;
	s5 =	simm.s32 @!p2 $0x0  }
0x1d: {  	s5 =	simm.s32 @p1 $0x1;
	p0 =	seq.s32 s7, s2  }
0x1e: {  	s7 =	smul.u32 @!p0 $0xF7A, s2;
	p2 =	seq.s32 @!p0 s5, $0x0  }
0x1f: {  	s9 =	smul.u32 $0xF7A, s1;
	s8 =	simm.s32 @!p0 $0x1BF5;
	p2 =	por !p2, p0  }
0x20: {  	[sflag:s8] =	ssyncset.s32 @!p0 $0xFFFFF086;
	s6 =	sadd.s32 @!p0 s3, s7;
	s7 =	simm.s32 @!p0 $0x108  }
0x21: {  	s3 =	sadd.s32 s3, s9;
	s6 =	sadd.s32 @!p0 $0x88, s6;
	s7 =	simm.s32 @p2 $0x1082  }
0x22: {  	[simem:s7], [sflag:s8] =	dma.local @!p0 [hbm:s6], $0xF7A  }
0x23: {  	s9 =	sor.u32 $0xD0000000, s2;
	s6 =	simm.s32 $0x108;
	_ =	swait.ge @!p0 [sflag:s8], $0x0  }
0x24: {  	s3 =	sadd.s32 $0x88, s3;
	s6 =	simm.s32 @!p1 $0x1082;
	[sflag:s4] =	ssyncset.s32 $0xFFFFF086  }
0x25: {  	[simem:s6], [sflag:s4] =	dma.local [hbm:s3], $0xF7A  }
0x26: {  	[smem:$0x3F9C] =	sst s1;
	(tag) =	ssettag s2;
	_ =	strace s9  }
0x27: {  	s1 =	sld [smem:$0x3FAC]  }
0x28: {  	s2 =	sld [smem:$0x3FAD]  }
0x29: {  	s4 =	sld [smem:$0x3FAF]  }
0x2a: {  	p0 =	seq.s32 s5, $0x0;
	s5 =	sld [smem:$0x3FB0]  }
0x2b: {  	s6 =	sld [smem:$0x3FB1]  }
0x2c: {  	s7 =	sld [smem:$0x3FB2]  }
0x2d: {  	s3 =	simm.s32 $0x108;
	s8 =	sld [smem:$0x3FB3]  }
0x2e: {  	s3 =	simm.s32 @!p0 $0x1082;
	s9 =	sld [smem:$0x3FB4]  }
0x2f: {  	lr =	sadd.s32 s0, s3;
	s0 =	sld [smem:$0x3FAB]  }
0x30: {  	s3 =	sld [smem:$0x3FAE]  }
0x31: {  	[smem:$0x3FB7] =	sst s10  }
0x32: {  	s10 =	sld [smem:$0x3FB5];
	_ =	sdelay $0x3  }
0x33: {  	p0 =	seq.s32 s10, $0x1;
	s10 =	sld [smem:$0x3FB7];
	_ =	sdelay $0x3  }
0x34: {  	[smem:$0x3FB7] =	sst s10  }
0x35: {  	s10 =	sld [smem:$0x3FB6];
	_ =	sdelay $0x3  }
0x36: {  	p1 =	seq.s32 s10, $0x1;
	s10 =	sld [smem:$0x3FB7];
	_ =	sdelay $0x3  }
0x37: {  	[smem:$0x3FB7] =	sst s10  }
0x38: {  	s10 =	sld [smem:$0x3FB8]  }
0x39: {  	_ = 	snop;
	(pc) =	sbr.ind lr, $3  }
0x3a: {  	_ = 	snop  }
0x3b: {  	_ = 	snop  }
0x3c: {  	p2 =	seq.s32 s10, $0x1;
	s10 =	sld [smem:$0x3FB7]  }
0x3d: {  	_ =	shalt  }
0x3e: {  	_ =	shalt  }
0x3f: {  	_ =	shalt  }
0x40: {  	_ =	shalt  }
0x41: {  	_ =	shalt  }
0x42: {  	_ =	shalt  }
0x43: {  	_ =	shalt  }
0x44: {  	_ =	shalt  }
0x45: {  	_ =	shalt  }
0x46: {  	_ =	shalt  }
0x47: {  	_ =	shalt  }
0x48: {  	_ =	shalt  }
0x49: {  	_ =	shalt  }
0x4a: {  	_ =	shalt  }
0x4b: {  	_ =	shalt  }
0x4c: {  	_ =	shalt  }
0x4d: {  	_ =	shalt  }
0x4e: {  	_ =	shalt  }
0x4f: {  	_ =	shalt  }
0x50: {  	_ =	shalt  }
0x51: {  	_ =	shalt  }
0x52: {  	_ =	shalt  }
0x53: {  	_ =	shalt  }
0x54: {  	_ =	shalt  }
0x55: {  	_ =	shalt  }
0x56: {  	_ =	shalt  }
0x57: {  	_ =	shalt  }
0x58: {  	_ =	shalt  }
0x59: {  	_ =	shalt  }
0x5a: {  	_ =	shalt  }
0x5b: {  	_ =	shalt  }
0x5c: {  	_ =	shalt  }
0x5d: {  	_ =	shalt  }
0x5e: {  	_ =	shalt  }
0x5f: {  	_ =	shalt  }
0x60: {  	_ =	shalt  }
0x61: {  	_ =	shalt  }
0x62: {  	_ =	shalt  }
0x63: {  	_ =	shalt  }
0x64: {  	_ =	shalt  }
0x65: {  	_ =	shalt  }
0x66: {  	_ =	shalt  }
0x67: {  	_ =	shalt  }
0x68: {  	_ =	shalt  }
0x69: {  	_ =	shalt  }
0x6a: {  	_ =	shalt  }
0x6b: {  	_ =	shalt  }
0x6c: {  	_ =	shalt  }
0x6d: {  	_ =	shalt  }
0x6e: {  	_ =	shalt  }
0x6f: {  	_ =	shalt  }
0x70: {  	_ =	shalt  }
0x71: {  	_ =	shalt  }
0x72: {  	_ =	shalt  }
0x73: {  	_ =	shalt  }
0x74: {  	_ =	shalt  }
0x75: {  	_ =	shalt  }
0x76: {  	_ =	shalt  }
0x77: {  	_ =	shalt  }
0x78: {  	_ =	shalt  }
0x79: {  	_ =	shalt  }
0x7a: {  	_ =	shalt  }
0x7b: {  	_ =	shalt  }
0x7c: {  	_ =	shalt  }
0x7d: {  	_ =	shalt  }
0x7e: {  	_ =	shalt  }
0x7f: {  	_ =	shalt  }
0x80: {  	_ =	shalt  }
0x81: {  	_ =	shalt  }
0x82: {  	_ =	shalt  }
0x83: {  	_ =	shalt  }
0x84: {  	_ =	shalt  }
0x85: {  	_ =	shalt  }
0x86: {  	_ =	shalt  }
0x87: {  	_ =	shalt  }
.Lfunc_end0:
.L_simem_size_0:
called_computation_lowered:
.L_overlay_start_0:
0x88: {  	s2 =	sld [smem:$0x3FD9]  }
0x89: {  	s3 =	sld [smem:$0x3FFE];
	_ =	sdelay $0x1  }
0x8a: {  	s1 =	srdreg.scid  }
0x8b: {  	s0 =	sand.u32 $0x1, s1  }
0x8c: {  	s17 =	sshll.u32 s0, $0xA;
	s2 =	sadd.s32 s3, s2  }
0x8d: {  	s2 =	sadd.s32 s2, s17  }
0x8e: {  	[smem:$0x3FC3] =	sst s2  }
0x8f: {  	_ = 	snop  }
0x90: {  	s2 =	sld [smem:$0x3FD0];
	(tm) =	ssettm $0x1  }
0x91: {  	s18 =	sld [smem:$0x3FFB];
	_ =	sdelay $0x3  }
0x92: {  	_ =	strace s18  }
0x93: {  	s3 =	sld [smem:$0x3FFC];
	_ =	sdelay $0x3  }
0x94: {  	_ =	strace s3  }
0x95: {  	s3 =	sld [smem:$0x3FFD];
	_ =	sdelay $0x3  }
0x96: {  	_ =	strace s3  }
0x97: {  	_ =	strace $0x8FFFFFFF  }
0x98: {  	s19 =	sld [smem:$0x3FDB];
	_ =	sdelay $0x1  }
0x99: {  	s4 =	simm.s32 $_scs_section_size  }
0x9a: {  	s5 =	simm.s32 $_size__tile_overlayer_lowered;
	s6 =	simm.s32 $_tile_overlayer_lowered  }
0x9b: {  	s22 =	simm.s32 $0x1BFF;
	s21 =	sshll.u32 s6, $0x1;
	s3 =	sadd.s32 s4, s19  }
0x9c: {  	s7 =	simm.s32 $0x0;
	s20 =	sshll.u32 s5, $0x1;
	s5 =	sadd.s32 s21, s3  }
0x9d: {  	[timem:s7], [sflag:s22] =	dma.local [hbm:s5], s20  }
0x9e: {  	_ =	swait.ge [sflag:s22], s20  }
0x9f: {  	s4 =	ssub.s32 $0x0, s20;
	[sflag:s22] =	ssyncset.done $0x0  }
0xa0: {  	[sflag:s22] =	ssyncadd.s32 s4;
	_ =	sdelay $0x1  }
0xa1: {  	s23 =	simm.s32 $0x1B8B  }
0xa2: {  	_ =	swait.ge [sflag:s23], $0x1  }
0xa3: {  	[sflag:s23] =	ssyncset.done $0x0  }
0xa4: {  	s25 =	simm.s32 $0x1B8E;
	s24 =	sld [smem:$0x3FFE];
	[sflag:s23] =	ssyncadd.s32 $0xFFFFFFFF  }
0xa5: {  	s26 =	simm.s32 $execute0_lowered;
	[smem:$0x3FD2] =	sst s25  }
0xa6: {  	s5 =	sshll.u32 s26, $0x1;
	_ =	strace $0x80000046;
	[dreg:$0x1] =	wrdreg $0xFFFFFFFF  }
0xa7: {  	s28 =	simm.s32 $_size_execute0_lowered;
	s3 =	sadd.s32 s3, s5;
	[dreg:$0x0] =	wrdreg $0x0  }
0xa8: {  	s5 =	sshll.u32 s28, $0x1;
	[dreg:$0x2] =	wrdreg s3  }
0xa9: {  	[dreg:$0x3] =	wrdreg s5  }
0xaa: {  	[dreg:$0x4] =	wrdreg $0xC0  }
0xab: {  	_ =	task [dreg:s7], $0x5FFFF  }
0xac: {  	[dreg:$0x1] =	wrdreg $0xFFFFFFFF  }
0xad: {  	[dreg:$0x0] =	wrdreg $0x60  }
0xae: {  	[dreg:$0x2] =	wrdreg s2  }
0xaf: {  	[dreg:$0x3] =	wrdreg s24  }
0xb0: {  	[dreg:$0x4] =	wrdreg $0x9  }
0xb1: {  	_ =	task.clear_ibuf [dreg:s7], $0x5FFFF;
	_ =	strace $0x90000046  }
0xb2: {  	s29 =	simm.s32 $0x9;
	_ =	strace $0x80000048  }
0xb3: {  	_ =	swait.ge [sflag:s29], $0x1  }
0xb4: {  	[sflag:s29] =	ssyncadd.s32 $0xFFFFFFFF  }
0xb5: {  	_ =	strace $0x90000048  }
0xb6: {  	_ =	sfence  }
0xb7: {  	s30 =	sld [smem:$0x0];
	_ =	sdelay $0x2  }
0xb8: {  	s31 =	sshll.u32 s1, $0xD;
	s1 =	sshrl.u32 s1, $0x2  }
0xb9: {  	s3 =	sand.u32 $0x4000, s31;
	s1 =	sadd.s32 s1, s30  }
0xba: {  	s0 =	sor.u32 s3, s0;
	s1 =	sshll.u32 s1, $0x11  }
0xbb: {  	s0 =	sor.u32 s1, s0  }
0xbc: {  	s0 =	sadd.s32 $0x8F2B, s0  }
0xbd: {  	[sflag:s0] =	ssyncadd.remote.s32 $0x1  }
0xbe: {  	_ =	sfence.sel $0xFFFF  }
0xbf: {  	[dreg:$0x0] =	wrdreg $0xFFFFFFFF;
	(pc) =	sbr.abs _section_cstart, $3  }
0xc0: {  	[dreg:$0x1] =	wrdreg $0xFFFFFFFF  }
0xc1: {  	_ =	task.clear_ibuf [dreg:s7], $0x2FFFF;
	_ =	strace $0x9FFFFFFF  }
0xc2: {  	(tm) =	ssettm $0x7FFFFFFF  }
0xc3: {  	_ =	shalt  }
tec
execute0_lowered:
.L_overlay_start_1:
0x0: {  	(tag) =	ssettag $0x1  }
0x1: {  	s1 =	rddreg [dreg:$0x0]  }
0x2: {  	s4 =	rddreg [dreg:$0x1]  }
0x3: {  	s0 =	rddreg [dreg:$0x2];
	s3 =	simm.s32 $0x0  }
0x4: {  	s2 =	stileid.u32;
	s5 =	srdreg.scid;
	s11 =	simm.s32 $0x8200  }
0x5: {  	s12 =	simm.s32 $0x1;
	s13 =	simm.s32 $0x2;
	s14 =	simm.s32 $0x0  }
0x6: {  	[smem:$0x7FF] =	sst s3;
	s6 =	sshll.u32 s2, $0x13;
	s5 =	sand.u32 $0x1, s5  }
0x7: {  	s7 =	sadd.s32 $0x2400, s4;
	s9 =	sshll.u32 s2, $0xF;
	_ =	strace $0x80000047  }
0x8: {  	s6 =	sadd.s32 s6, s4;
	s28 =	ssub.s32 $0x2, s5;
	s10 =	sshll.u32 s5, $0xE  }
0x9: {  	s5 =	sshll.u32 s5, $0x12;
	s8 =	sshrl.u32 s28, $0x1;
	s29 =	sor.u32 s10, s9  }
0xa: {  	s5 =	sadd.s32 s5, s6;
	s9 =	simm.s32 $0x100;
	s10 =	simm.s32 $0x200  }
0xb: {  	s4 =	ssub.s32 s28, s8;
	s30 =	sor.u32 $0x100, s29;
	s5 =	sadd.s32 $0x82400, s5  }
0xc: {  	s8 =	sshrl.u32 s29, $0x3;
	s4 =	smax.u32 s4, $0x1;
	s31 =	sshrl.u32 s30, $0x3  }
0xd: {  	s6 =	sadd.s32 s8, s7;
	s8 =	simm.s32 $0x3;
	s7 =	sadd.s32 s31, s7  }
.LBB2_1:
0xe: {  	s15 =	sadd.s32 $0x0, s6  }
0xf: {  	[tilespmem:s3], [sflag:$0x3] =	stream.linear.gather [hbm4b:s15+s3], $0x100, $0x38;
	[tilespmem:$0x10200] =	vst v63  }
0x10: {  	_ =	swait.ge [sflag:s8], $0x100  }
0x11: {  	[sflag:s8] =	ssyncset.done $0x0  }
0x12: {  	[sflag:s8] =	ssyncadd.s32 $0xFFFFFF00  }
0x13: {  	[tilespmem:s10], [sflag:$0x1] =	stream.indirect.gather [hbm4b:s1+s9], $0x80, s3, s9, $0xb8;
	[tilespmem:$0x10200] =	vst v63  }
0x14: {  	s30 =	sadd.s32 $0x0, s7  }
0x15: {  	[tilespmem:s9], [sflag:$0x3] =	stream.linear.gather [hbm4b:s30+s3], $0x100, $0x38;
	[tilespmem:$0x10200] =	vst v63  }
0x16: {  	_ =	swait.ge [sflag:s8], $0x100  }
0x17: {  	[sflag:s8] =	ssyncset.done $0x0  }
0x18: {  	[sflag:s8] =	ssyncadd.s32 $0xFFFFFF00  }
0x19: {  	[tilespmem:s11], [sflag:$0x2] =	stream.indirect.gather [hbm4b:s1+s9], $0x80, s9, s9, $0xb8;
	[tilespmem:$0x10200] =	vst v63  }
0x1a: {  	_ =	swait.ge [sflag:s12], $0x8000  }
0x1b: {  	[sflag:s12] =	ssyncset.done $0x0  }
0x1c: {  	[sflag:s12] =	ssyncadd.s32 $0xFFFF8000  }
0x1d: {  	[hbm4b:s5+s3] =	stream.linear.scatter [tilespmem:s10], [sflag:$0x3], $0x8000, $0x38;
	[tilespmem:$0x10200] =	vst v63  }
0x1e: {  	_ =	swait.ge [sflag:s8], $0x8000  }
0x1f: {  	[sflag:s8] =	ssyncset.done $0x0  }
0x20: {  	[sflag:s8] =	ssyncadd.s32 $0xFFFF8000  }
0x21: {  	_ =	swait.ge [sflag:s13], $0x8000  }
0x22: {  	[sflag:s13] =	ssyncset.done $0x0  }
0x23: {  	s31 =	sadd.s32 $0x1000, s5;
	[sflag:s13] =	ssyncadd.s32 $0xFFFF8000  }
0x24: {  	[hbm4b:s31+s3] =	stream.linear.scatter [tilespmem:s11], [sflag:$0x3], $0x8000, $0x38;
	[tilespmem:$0x10200] =	vst v63  }
0x25: {  	s16 =	simm.s32 $0x40;
	_ =	swait.ge [sflag:s8], $0x8000  }
0x26: {  	s17 =	simm.s32 $0x80;
	s15 =	sadd.s32 $0x2000, s5;
	[sflag:s8] =	ssyncset.done $0x0  }
.LBB2_2:
0x27: {  	s18 =	sadd.s32 s16, s6  }
0x28: {  	[sflag:s8] =	ssyncadd.s32 $0xFFFF8000;
	s19 =	smov.u32 s17;
	s20 =	sadd.s32 $0x40, s17  }
0x29: {  	[tilespmem:s3], [sflag:$0x3] =	stream.linear.gather [hbm4b:s18+s3], $0x100, $0x38;
	[tilespmem:$0x10200] =	vst v63  }
0x2a: {  	p0 =	sne.s32 s17, $0x7C0;
	_ =	swait.ge [sflag:s8], $0x100  }
0x2b: {  	[sflag:s8] =	ssyncset.done $0x0  }
0x2c: {  	[sflag:s8] =	ssyncadd.s32 $0xFFFFFF00  }
0x2d: {  	[tilespmem:s10], [sflag:$0x1] =	stream.indirect.gather [hbm4b:s1+s9], $0x80, s3, s9, $0xb8;
	[tilespmem:$0x10200] =	vst v63  }
0x2e: {  	s17 =	sadd.s32 s16, s7;
	s16 =	smov.u32 s19  }
0x2f: {  	[tilespmem:s9], [sflag:$0x3] =	stream.linear.gather [hbm4b:s17+s3], $0x100, $0x38;
	[tilespmem:$0x10200] =	vst v63  }
0x30: {  	_ =	swait.ge [sflag:s8], $0x100  }
0x31: {  	[sflag:s8] =	ssyncset.done $0x0  }
0x32: {  	[sflag:s8] =	ssyncadd.s32 $0xFFFFFF00  }
0x33: {  	[tilespmem:s11], [sflag:$0x2] =	stream.indirect.gather [hbm4b:s1+s9], $0x80, s9, s9, $0xb8;
	[tilespmem:$0x10200] =	vst v63  }
0x34: {  	_ =	swait.ge [sflag:s12], $0x8000  }
0x35: {  	[sflag:s12] =	ssyncset.done $0x0  }
0x36: {  	[sflag:s12] =	ssyncadd.s32 $0xFFFF8000  }
0x37: {  	[hbm4b:s15+s3] =	stream.linear.scatter [tilespmem:s10], [sflag:$0x3], $0x8000, $0x38;
	[tilespmem:$0x10200] =	vst v63  }
0x38: {  	_ =	swait.ge [sflag:s8], $0x8000  }
0x39: {  	[sflag:s8] =	ssyncset.done $0x0  }
0x3a: {  	[sflag:s8] =	ssyncadd.s32 $0xFFFF8000  }
0x3b: {  	_ =	swait.ge [sflag:s13], $0x8000  }
.Ltmp0:
0x3c: {  	[sflag:s13] =	ssyncset.done $0x0;
	(pc) =	sbr.rel @p0 .LBB2_2-.Ltmp0, $4  }
0x3d: {  	s17 =	sadd.s32 $0x1000, s15;
	[sflag:s13] =	ssyncadd.s32 $0xFFFF8000  }
0x3e: {  	[hbm4b:s17+s3] =	stream.linear.scatter [tilespmem:s11], [sflag:$0x3], $0x8000, $0x38;
	[tilespmem:$0x10200] =	vst v63  }
0x3f: {  	_ =	swait.ge [sflag:s8], $0x8000  }
0x40: {  	s15 =	sadd.s32 $0x2000, s15;
	s17 =	smov.u32 s20;
	[sflag:s8] =	ssyncset.done $0x0  }
0x41: {  	s17 =	sadd.s32 s16, s6;
	[sflag:s8] =	ssyncadd.s32 $0xFFFF8000  }
0x42: {  	[tilespmem:s3], [sflag:$0x3] =	stream.linear.gather [hbm4b:s17+s3], $0x100, $0x38;
	[tilespmem:$0x10200] =	vst v63  }
0x43: {  	_ =	swait.ge [sflag:s8], $0x100  }
0x44: {  	[sflag:s8] =	ssyncset.done $0x0  }
0x45: {  	[sflag:s8] =	ssyncadd.s32 $0xFFFFFF00  }
0x46: {  	[tilespmem:s10], [sflag:$0x1] =	stream.indirect.gather [hbm4b:s1+s9], $0x80, s3, s9, $0xb8;
	[tilespmem:$0x10200] =	vst v63  }
0x47: {  	s30 =	sadd.s32 s16, s7  }
0x48: {  	[tilespmem:s9], [sflag:$0x3] =	stream.linear.gather [hbm4b:s30+s3], $0x100, $0x38;
	[tilespmem:$0x10200] =	vst v63  }
0x49: {  	_ =	swait.ge [sflag:s8], $0x100  }
0x4a: {  	[sflag:s8] =	ssyncset.done $0x0  }
0x4b: {  	[sflag:s8] =	ssyncadd.s32 $0xFFFFFF00  }
0x4c: {  	[tilespmem:s11], [sflag:$0x2] =	stream.indirect.gather [hbm4b:s1+s9], $0x80, s9, s9, $0xb8;
	[tilespmem:$0x10200] =	vst v63  }
0x4d: {  	_ =	swait.ge [sflag:s12], $0x8000  }
0x4e: {  	[sflag:s12] =	ssyncset.done $0x0  }
0x4f: {  	[sflag:s12] =	ssyncadd.s32 $0xFFFF8000  }
0x50: {  	[hbm4b:s15+s3] =	stream.linear.scatter [tilespmem:s10], [sflag:$0x3], $0x8000, $0x38;
	[tilespmem:$0x10200] =	vst v63  }
0x51: {  	_ =	swait.ge [sflag:s8], $0x8000  }
0x52: {  	[sflag:s8] =	ssyncset.done $0x0  }
0x53: {  	[sflag:s8] =	ssyncadd.s32 $0xFFFF8000  }
0x54: {  	s14 =	sadd.s32 $0x1, s14;
	_ =	swait.ge [sflag:s13], $0x8000  }
0x55: {  	p0 =	sne.s32 s14, s4;
	[sflag:s13] =	ssyncset.done $0x0  }
.Ltmp1:
0x56: {  	s31 =	sadd.s32 $0x1000, s15;
	[sflag:s13] =	ssyncadd.s32 $0xFFFF8000;
	(pc) =	sbr.rel @p0 .LBB2_1-.Ltmp1, $4  }
0x57: {  	[hbm4b:s31+s3] =	stream.linear.scatter [tilespmem:s11], [sflag:$0x3], $0x8000, $0x38;
	[tilespmem:$0x10200] =	vst v63  }
0x58: {  	_ =	swait.ge [sflag:s8], $0x8000  }
0x59: {  	[sflag:s8] =	ssyncset.done $0x0  }
0x5a: {  	[sflag:s8] =	ssyncadd.s32 $0xFFFF8000  }
0x5b: {  	_ =	sfence.sel $0x180000  }
0x5c: {  	[bflag:$0x0] =	sbarrier.arrive $0xFFFF  }
0x5d: {  	p0 =	sne.s32 s2, $0x0;
	_ =	strace $0x90000047  }
0x5e: {  	s0 =	sadd.s32 @!p0 $0x100000, s0;
	[bflag:$0x2] =	sbarrier.arrive $0xFFFF  }
0x5f: {  	[sflag:s0] =	ssyncadd.tile.s32 @!p0 $0x1;
	_ =	shalt  }
.Lfunc_end2:
_tile_overlayer_lowered:
.L_overlay_start_2:
0x60: {  	(tag) =	ssettag $0x2  }
0x61: {  	s0 =	rddreg [dreg:$0x0];
	s2 =	stileid.u32  }
0x62: {  	s1 =	rddreg [dreg:$0x1];
	p0 =	sne.s32 s2, $0x0  }
0x63: {  	s3 =	rddreg [dreg:$0x2];
	[bflag:$0x3] =	sbarrier.arrive $0xFFFF;
	s2 =	simm.s32 @!p0 $0x1C03  }
0x64: {  	[timem:s3], [sflag:s2] =	dma.local @!p0 [hbm:s0], s1  }
0x65: {  	s0 =	simm.s32 @!p0 $0x3  }
0x66: {  	_ =	swait.ge @!p0 [sflag:s0], s1  }
0x67: {  	s1 =	ssub.s32 @!p0 $0x0, s1;
	[sflag:s0] =	ssyncset.done @!p0 $0x0  }
0x68: {  	[sflag:s0] =	ssyncadd.s32 @!p0 s1  }
0x69: {  	[bflag:$0x3] =	sbarrier.arrive $0xFFFF  }
0x6a: {  	_ =	shalt  }

</sc_bundles>
